<compile_context>
chip_gen: v7x
topology: tpu7x:2x2x1
jax: 0.10.2.dev20260603
libtpu: 0.0.44.dev20260713+nightly
codegen_flags: <defaults>
</compile_context>

<pallas_src>
import functools

import jax
import jax.numpy as jnp
from jax import lax
from jax.experimental import pallas as pl
from jax.experimental.pallas import tpu as pltpu
from jax.experimental.pallas import tpu_sc as plsc

UT = 130305
NROWS = 96
ROWS_PER_TILE = 3
GSZ = 65152
IB = 8192
BUF = 8448
NIB = 16
LASTIB = UT - 1 - (15 * IB - 128)
M_INIT = 363


def _make_sc_call():
  mesh = plsc.VectorSubcoreMesh(core_axis_name="c", subcore_axis_name="s")

  @functools.partial(
      pl.kernel,
      out_type=jax.ShapeDtypeStruct((NROWS, UT), jnp.float32),
      mesh=mesh,
      compiler_params=pltpu.CompilerParams(needs_layout_passes=False),
      scratch_types=[
          pltpu.VMEM((GSZ,), jnp.float32),
          pltpu.VMEM((2 * BUF,), jnp.float32),
          pltpu.SemaphoreType.DMA,
          pltpu.SemaphoreType.DMA,
          pltpu.SemaphoreType.DMA,
      ],
  )
  def sc_permute(x_hbm, out_hbm, obuf, ibuf, isem0, isem1, hsem):
    cid = lax.axis_index("c")
    sid = lax.axis_index("s")
    wid = sid * 2 + cid
    lane = lax.iota(jnp.int32, 16)

    def do_task(q, _):
      row = wid * ROWS_PER_TILE + (q >> 1)
      group = q & 1
      ka = group * GSZ

      def fire_in(n):
        def cp(src_off, ln):
          for p in range(2):
            @pl.when((n & 1) == p)
            def _(p=p):
              pltpu.async_copy(
                  x_hbm.at[row, pl.ds(src_off, ln)],
                  ibuf.at[pl.ds(p * BUF, ln)],
                  isem1 if p else isem0)

        @pl.when(n == 0)
        def _():
          cp(0, BUF)

        @pl.when((n >= 1) & (n <= 14))
        def _():
          cp(n * IB - 128, BUF)

        @pl.when(n == 15)
        def _():
          cp(15 * IB - 128, LASTIB)

      def wait_in(n):
        def wt(ln):
          for p in range(2):
            @pl.when((n & 1) == p)
            def _(p=p):
              pltpu.make_async_copy(
                  x_hbm.at[row, pl.ds(0, ln)],
                  ibuf.at[pl.ds(p * BUF, ln)],
                  isem1 if p else isem0).wait()

        @pl.when(n <= 14)
        def _():
          wt(BUF)

        @pl.when(n == 15)
        def _():
          wt(LASTIB)

      def enter_block(n):
        wait_in(n)

        @pl.when(n <= 14)
        def _():
          fire_in(n + 1)

      fire_in(0)
      fire_in(1)

      @pl.when(q >= 1)
      def _():
        pltpu.make_async_copy(
            obuf, out_hbm.at[row, pl.ds(0, GSZ)], hsem).wait()

      wait_in(0)

      def out_row(r, carry):
        m_bound, st, n = carry
        m_bound = lax.while_loop(
            lambda m: (m > 2)
            & ((((511 - (m - 1)) * (510 + (m - 1))) >> 1) + m - 3
               < GSZ + r),
            lambda m: m - 1, m_bound)

        w_lo = jnp.where(group == 0,
                         jnp.maximum(m_bound, r + 2),
                         jnp.maximum(r + 2, 3))
        w_hi = jnp.where(group == 0, 512, m_bound)
        width = w_hi - w_lo
        f0 = st + w_lo - r - 2
        cv = w_lo + lane
        dest0 = ((511 - cv) * (510 + cv) >> 1) + cv - 2 - r - ka
        dd0 = -104 - 16 * cv
        nfull = (width - 1) >> 4

        def chunk(_, cc):
          dest, dd, f, nn = cc
          sw = f > nn * IB + 8304
          nn = jnp.where(sw, nn + 1, nn)

          @pl.when(sw)
          def _():
            enter_block(nn)

          base = jnp.where(nn == 0, 0, nn * IB - 128)
          addr = (nn & 1) * BUF + (f - base)
          vals = plsc.load_gather(ibuf, [addr + lane])
          plsc.store_scatter(obuf, [dest], vals)
          return (dest + dd, dd - 256, f + 16, nn)

        dest, dd, f, n = lax.fori_loop(
            0, nfull, chunk, (dest0, dd0, f0, n))

        f_l = f0 + width - 16
        sw = f_l > n * IB + 8304
        n = jnp.where(sw, n + 1, n)

        @pl.when(sw)
        def _():
          enter_block(n)

        cl = (w_hi - 16) + lane
        dest_l = ((511 - cl) * (510 + cl) >> 1) + cl - 2 - r - ka
        base = jnp.where(n == 0, 0, n * IB - 128)
        addr = (n & 1) * BUF + jnp.clip(f_l - base, 0, BUF - 16)
        vals = plsc.load_gather(ibuf, [addr + lane])
        plsc.store_scatter(obuf, [dest_l], vals,
                           mask=lane >= 16 - width)
        return (m_bound, st + 510 - r, n)

      _, _, n = lax.fori_loop(0, 510, out_row, (M_INIT, 0, 0))

      @pl.when(n < 15)
      def _():
        wait_in(n + 1)

      pltpu.async_copy(obuf, out_hbm.at[row, pl.ds(ka, GSZ)], hsem)
      return 0

    lax.fori_loop(0, 2 * ROWS_PER_TILE, do_task, 0)
    pltpu.make_async_copy(
        obuf, out_hbm.at[0, pl.ds(0, GSZ)], hsem).wait()

  return sc_permute


_SC_PERMUTE = _make_sc_call()


def kernel(x, reverse):
  bs, num, ut = x.shape

  def do_reverse(xx):
    flat = xx.reshape(NROWS, UT)
    out = _SC_PERMUTE(flat)
    out = out.at[:, UT - 1].set(flat[:, 0])
    out = out.at[:, 0].set(flat[:, UT - 1])
    return out.reshape(bs, num, ut)

  return lax.cond(jnp.asarray(reverse) != 0, do_reverse, lambda xx: xx, x)

# --- scband reference (transcript-rebuilt; emitter-appended) ---
"""Pipeline reference for scband-switch-reverse-triu-50740743635730 (READ-ONLY COPY).

The authoritative reference and input builder live on the scoring server;
editing this copy changes nothing except your own understanding.
"""

import jax, jax.numpy as jnp
import numpy as np

DIAGONAL_OFFSET = 2
BS, NUM, SEQ_M = 2, 48, 510
UT_LEN = SEQ_M * (SEQ_M + 1) // 2  # 130305


def _rc_order(ut_len, diagonal_offset):
    seq_len = int(np.sqrt(2 * ut_len + 0.25) - 0.5)
    seq_len += diagonal_offset
    ut_indexes = np.triu_indices(seq_len, diagonal_offset)
    mat_ut_indexes = np.zeros((seq_len, seq_len), dtype=np.int64)
    mat_ut_indexes[ut_indexes] = np.arange(ut_len, dtype=np.int64)
    mask_ut = np.zeros((seq_len, seq_len), dtype=bool)
    mask_ut[ut_indexes] = True
    mask_ld = ~mask_ut
    mat_indexes = mat_ut_indexes + np.multiply(mask_ld, mat_ut_indexes.T)
    mat_rc_indexes = mat_indexes[::-1, ::-1]
    return mat_rc_indexes[ut_indexes]  # int64[ut_len]


def setup_inputs(seed: int = 0) -> dict:
    key = jax.random.key(seed)
    x = jax.random.normal(key, (BS, NUM, UT_LEN), dtype=jnp.float32)
    return {"x": x, "reverse": 1}


def reference(x, reverse):
    bs, num, ut_len = x.shape
    rc_ut_order = jnp.asarray(_rc_order(ut_len, DIAGONAL_OFFSET), dtype=jnp.int64)
    # equivalent of torch gather along last dim with broadcast index
    gathered = jnp.take(x, rc_ut_order, axis=-1)
    return jnp.where(reverse != 0, gathered, x)

if __name__ == "__main__":
    import jax
    _d = setup_inputs()
    print(jax.jit(kernel)(*tuple(_d.values())))

</pallas_src>

<mosaic_0001>
#map = affine_map<(d0, d1) -> (0, 0)>
module attributes {stable_mosaic.version = 14 : i64} {
  func.func @sc_permute(%arg0: i32, %arg1: i32, %arg2: memref<96x130305xf32, #tpu.memory_space<hbm>>, %arg3: memref<96x130305xf32, #tpu.memory_space<hbm>>, %arg4: memref<65152xf32, #tpu.memory_space<vmem>>, %arg5: memref<16896xf32, #tpu.memory_space<vmem>>, %arg6: memref<!tpu.dma_semaphore, #tpu.memory_space<semaphore_mem>>, %arg7: memref<!tpu.dma_semaphore, #tpu.memory_space<semaphore_mem>>, %arg8: memref<!tpu.dma_semaphore, #tpu.memory_space<semaphore_mem>>) attributes {dimension_semantics = [#tpu.dimension_semantics<core_parallel>, #tpu.dimension_semantics<subcore_parallel>], iteration_bounds = array<i64: 2, 16>, scalar_prefetch = 0 : i64, scratch_operands = 5 : i64, tpu.core_type = #tpu.core_type<sc_vector_subcore>, window_params = [{transform_indices = #map}, {transform_indices = #map}]} {
    %mul3A = arith.constant 2 : i32
    %mul3A_0 = arith.muli %arg1, %mul3A : i32
    %add3A = arith.addi %mul3A_0, %arg0 : i32
    %iota3A = tpu.iota {dimensions = array<i32: 0>} : vector<16xi32>
    %scan3A = arith.constant 0 : i32
    %scan3A_1 = arith.constant 0 : i32
    %scan3A_2 = arith.constant 6 : i32
    %scan3A_3 = arith.addi %scan3A_1, %scan3A_2 : i32
    %scan3A_4 = arith.constant 1 : i32
    %scan3A_5 = scf.for %scan3A_13 = %scan3A_1 to %scan3A_3 step %scan3A_4 iter_args(%scan3A_14 = %scan3A) -> (i32)  : i32 {
      %mul3A_15 = arith.constant 3 : i32
      %mul3A_16 = arith.muli %add3A, %mul3A_15 : i32
      %shift_right_arithmetic3A = arith.constant 1 : i32
      %shift_right_arithmetic3A_17 = arith.shrsi %scan3A_13, %shift_right_arithmetic3A : i32
      %add3A_18 = arith.addi %mul3A_16, %shift_right_arithmetic3A_17 : i32
      %and3A = arith.constant 1 : i32
      %and3A_19 = arith.andi %scan3A_13, %and3A : i32
      %mul3A_20 = arith.constant 65152 : i32
      %mul3A_21 = arith.muli %and3A_19, %mul3A_20 : i32
      %dma_start3A = arith.constant 0 : i32
      %dma_start3A_22 = tpu.memref_slice %arg5[%dma_start3A] : memref<16896xf32, #tpu.memory_space<vmem>> -> memref<8448xf32, #tpu.memory_space<vmem>>
      %dma_start3A_23 = arith.constant 0 : i32
      %dma_start3A_24 = tpu.memref_slice %arg2[%add3A_18, %dma_start3A_23] : memref<96x130305xf32, #tpu.memory_space<hbm>> -> memref<1x8448xf32, #tpu.memory_space<hbm>>
      %dma_start3A_25 = tpu.memref_squeeze %dma_start3A_24 : memref<1x8448xf32, #tpu.memory_space<hbm>> -> memref<8448xf32, #tpu.memory_space<hbm>>
      %dma_start3A_26 = arith.constant 0 : i32
      %dma_start3A_27 = tpu.memref_slice %arg5[%dma_start3A_26] : memref<16896xf32, #tpu.memory_space<vmem>> -> memref<8448xf32, #tpu.memory_space<vmem>>
      %dma_start3A_28 = arith.constant 0 : i32
      %dma_start3A_29 = tpu.memref_slice %arg2[%add3A_18, %dma_start3A_28] : memref<96x130305xf32, #tpu.memory_space<hbm>> -> memref<1x8448xf32, #tpu.memory_space<hbm>>
      %dma_start3A_30 = tpu.memref_squeeze %dma_start3A_29 : memref<1x8448xf32, #tpu.memory_space<hbm>> -> memref<8448xf32, #tpu.memory_space<hbm>>
      tpu.enqueue_dma source(%dma_start3A_30 : memref<8448xf32, #tpu.memory_space<hbm>>) target(%dma_start3A_27 : memref<8448xf32, #tpu.memory_space<vmem>>) target_semaphore(%arg6 : memref<!tpu.dma_semaphore, #tpu.memory_space<semaphore_mem>>)
      %dma_start3A_31 = arith.constant 8448 : i32
      %dma_start3A_32 = tpu.memref_slice %arg5[%dma_start3A_31] : memref<16896xf32, #tpu.memory_space<vmem>> -> memref<8448xf32, #tpu.memory_space<vmem>>
      %dma_start3A_33 = arith.constant 8064 : i32
      %dma_start3A_34 = tpu.memref_slice %arg2[%add3A_18, %dma_start3A_33] : memref<96x130305xf32, #tpu.memory_space<hbm>> -> memref<1x8448xf32, #tpu.memory_space<hbm>>
      %dma_start3A_35 = tpu.memref_squeeze %dma_start3A_34 : memref<1x8448xf32, #tpu.memory_space<hbm>> -> memref<8448xf32, #tpu.memory_space<hbm>>
      %dma_start3A_36 = arith.constant 8448 : i32
      %dma_start3A_37 = tpu.memref_slice %arg5[%dma_start3A_36] : memref<16896xf32, #tpu.memory_space<vmem>> -> memref<8448xf32, #tpu.memory_space<vmem>>
      %dma_start3A_38 = arith.constant 8064 : i32
      %dma_start3A_39 = tpu.memref_slice %arg2[%add3A_18, %dma_start3A_38] : memref<96x130305xf32, #tpu.memory_space<hbm>> -> memref<1x8448xf32, #tpu.memory_space<hbm>>
      %dma_start3A_40 = tpu.memref_squeeze %dma_start3A_39 : memref<1x8448xf32, #tpu.memory_space<hbm>> -> memref<8448xf32, #tpu.memory_space<hbm>>
      tpu.enqueue_dma source(%dma_start3A_40 : memref<8448xf32, #tpu.memory_space<hbm>>) target(%dma_start3A_37 : memref<8448xf32, #tpu.memory_space<vmem>>) target_semaphore(%arg7 : memref<!tpu.dma_semaphore, #tpu.memory_space<semaphore_mem>>)
      %ge3A = arith.constant 1 : i32
      %ge3A_41 = arith.cmpi sge, %scan3A_13, %ge3A : i32
      %convert_element_type3A = arith.extui %ge3A_41 : i1 to i32
      %cond3A = arith.constant 0 : i32
      %cond3A_42 = arith.cmpi ne, %convert_element_type3A, %cond3A : i32
      scf.if %cond3A_42 {
        %dma_wait3A_71 = arith.constant 0 : i32
        %dma_wait3A_72 = tpu.memref_slice %arg3[%add3A_18, %dma_wait3A_71] : memref<96x130305xf32, #tpu.memory_space<hbm>> -> memref<1x65152xf32, #tpu.memory_space<hbm>>
        %dma_wait3A_73 = tpu.memref_squeeze %dma_wait3A_72 : memref<1x65152xf32, #tpu.memory_space<hbm>> -> memref<65152xf32, #tpu.memory_space<hbm>>
        %dma_wait3A_74 = arith.constant 0 : i32
        %dma_wait3A_75 = tpu.memref_slice %arg3[%add3A_18, %dma_wait3A_74] : memref<96x130305xf32, #tpu.memory_space<hbm>> -> memref<1x65152xf32, #tpu.memory_space<hbm>>
        %dma_wait3A_76 = tpu.memref_squeeze %dma_wait3A_75 : memref<1x65152xf32, #tpu.memory_space<hbm>> -> memref<65152xf32, #tpu.memory_space<hbm>>
        tpu.wait_dma2 semaphore(%arg8 : memref<!tpu.dma_semaphore, #tpu.memory_space<semaphore_mem>>) src(%arg4 : memref<65152xf32, #tpu.memory_space<vmem>>) dst(%dma_wait3A_76 : memref<65152xf32, #tpu.memory_space<hbm>>)
      } else {
      }
      %dma_wait3A_43 = arith.constant 0 : i32
      %dma_wait3A_44 = tpu.memref_slice %arg5[%dma_wait3A_43] : memref<16896xf32, #tpu.memory_space<vmem>> -> memref<8448xf32, #tpu.memory_space<vmem>>
      %dma_wait3A_45 = arith.constant 0 : i32
      %dma_wait3A_46 = tpu.memref_slice %arg2[%add3A_18, %dma_wait3A_45] : memref<96x130305xf32, #tpu.memory_space<hbm>> -> memref<1x8448xf32, #tpu.memory_space<hbm>>
      %dma_wait3A_47 = tpu.memref_squeeze %dma_wait3A_46 : memref<1x8448xf32, #tpu.memory_space<hbm>> -> memref<8448xf32, #tpu.memory_space<hbm>>
      %dma_wait3A_48 = arith.constant 0 : i32
      %dma_wait3A_49 = tpu.memref_slice %arg5[%dma_wait3A_48] : memref<16896xf32, #tpu.memory_space<vmem>> -> memref<8448xf32, #tpu.memory_space<vmem>>
      %dma_wait3A_50 = arith.constant 0 : i32
      %dma_wait3A_51 = tpu.memref_slice %arg2[%add3A_18, %dma_wait3A_50] : memref<96x130305xf32, #tpu.memory_space<hbm>> -> memref<1x8448xf32, #tpu.memory_space<hbm>>
      %dma_wait3A_52 = tpu.memref_squeeze %dma_wait3A_51 : memref<1x8448xf32, #tpu.memory_space<hbm>> -> memref<8448xf32, #tpu.memory_space<hbm>>
      tpu.wait_dma2 semaphore(%arg6 : memref<!tpu.dma_semaphore, #tpu.memory_space<semaphore_mem>>) src(%dma_wait3A_52 : memref<8448xf32, #tpu.memory_space<hbm>>) dst(%dma_wait3A_49 : memref<8448xf32, #tpu.memory_space<vmem>>)
      %scan3A_53 = arith.constant 363 : i32
      %scan3A_54 = arith.constant 0 : i32
      %scan3A_55 = arith.constant 0 : i32
      %scan3A_56 = arith.constant 0 : i32
      %scan3A_57 = arith.constant 510 : i32
      %scan3A_58 = arith.addi %scan3A_56, %scan3A_57 : i32
      %scan3A_59 = arith.constant 1 : i32
      %scan3A_60:3 = scf.for %scan3A_71 = %scan3A_56 to %scan3A_58 step %scan3A_59 iter_args(%scan3A_72 = %scan3A_53, %scan3A_73 = %scan3A_54, %scan3A_74 = %scan3A_55) -> (i32, i32, i32)  : i32 {
        %while3A = scf.while (%while3A_191 = %scan3A_72) : (i32) -> i32 {
          %gt3A_192 = arith.constant 2 : i32
          %gt3A_193 = arith.cmpi sgt, %while3A_191, %gt3A_192 : i32
          %sub3A_194 = arith.constant 1 : i32
          %sub3A_195 = arith.subi %while3A_191, %sub3A_194 : i32
          %sub3A_196 = arith.constant 511 : i32
          %sub3A_197 = arith.subi %sub3A_196, %sub3A_195 : i32
          %sub3A_198 = arith.constant 1 : i32
          %sub3A_199 = arith.subi %while3A_191, %sub3A_198 : i32
          %add3A_200 = arith.constant 510 : i32
          %add3A_201 = arith.addi %add3A_200, %sub3A_199 : i32
          %mul3A_202 = arith.muli %sub3A_197, %add3A_201 : i32
          %shift_right_arithmetic3A_203 = arith.constant 1 : i32
          %shift_right_arithmetic3A_204 = arith.shrsi %mul3A_202, %shift_right_arithmetic3A_203 : i32
          %add3A_205 = arith.addi %shift_right_arithmetic3A_204, %while3A_191 : i32
          %sub3A_206 = arith.constant 3 : i32
          %sub3A_207 = arith.subi %add3A_205, %sub3A_206 : i32
          %add3A_208 = arith.constant 65152 : i32
          %add3A_209 = arith.addi %add3A_208, %scan3A_71 : i32
          %lt3A_210 = arith.cmpi slt, %sub3A_207, %add3A_209 : i32
          %and3A_211 = arith.andi %gt3A_193, %lt3A_210 : i1
          scf.condition(%and3A_211) %while3A_191 : i32
        } do {
        ^bb0(%while3A_191: i32):
          %sub3A_192 = arith.constant 1 : i32
          %sub3A_193 = arith.subi %while3A_191, %sub3A_192 : i32
          scf.yield %sub3A_193 : i32
        }
        %eq3A = arith.constant 0 : i32
        %eq3A_75 = arith.cmpi eq, %and3A_19, %eq3A : i32
        %add3A_76 = arith.constant 2 : i32
        %add3A_77 = arith.addi %scan3A_71, %add3A_76 : i32
        %max3A = arith.maxsi %while3A, %add3A_77 : i32
        %add3A_78 = arith.constant 2 : i32
        %add3A_79 = arith.addi %scan3A_71, %add3A_78 : i32
        %max3A_80 = arith.constant 3 : i32
        %max3A_81 = arith.maxsi %add3A_79, %max3A_80 : i32
        %select_n3A = arith.select %eq3A_75, %max3A, %max3A_81 : i32
        %eq3A_82 = arith.constant 0 : i32
        %eq3A_83 = arith.cmpi eq, %and3A_19, %eq3A_82 : i32
        %jit3A = arith.constant 512 : i32
        %select_n3A_84 = arith.select %eq3A_83, %jit3A, %while3A : i32
        %sub3A = arith.subi %select_n3A_84, %select_n3A : i32
        %add3A_85 = arith.addi %scan3A_73, %select_n3A : i32
        %sub3A_86 = arith.subi %add3A_85, %scan3A_71 : i32
        %sub3A_87 = arith.constant 2 : i32
        %sub3A_88 = arith.subi %sub3A_86, %sub3A_87 : i32
        %add3A_89 = vector.broadcast %select_n3A : i32 to vector<16xi32>
        %add3A_90 = arith.addi %add3A_89, %iota3A : vector<16xi32>
        %sub3A_91 = arith.constant 511 : i32
        %sub3A_92 = vector.broadcast %sub3A_91 : i32 to vector<16xi32>
        %sub3A_93 = arith.subi %sub3A_92, %add3A_90 : vector<16xi32>
        %add3A_94 = arith.constant 510 : i32
        %add3A_95 = vector.broadcast %add3A_94 : i32 to vector<16xi32>
        %add3A_96 = arith.addi %add3A_95, %add3A_90 : vector<16xi32>
        %mul3A_97 = arith.muli %sub3A_93, %add3A_96 : vector<16xi32>
        %shift_right_arithmetic3A_98 = arith.constant 1 : i32
        %shift_right_arithmetic3A_99 = vector.broadcast %shift_right_arithmetic3A_98 : i32 to vector<16xi32>
        %shift_right_arithmetic3A_100 = arith.shrsi %mul3A_97, %shift_right_arithmetic3A_99 : vector<16xi32>
        %add3A_101 = arith.addi %shift_right_arithmetic3A_100, %add3A_90 : vector<16xi32>
        %sub3A_102 = arith.constant 2 : i32
        %sub3A_103 = vector.broadcast %sub3A_102 : i32 to vector<16xi32>
        %sub3A_104 = arith.subi %add3A_101, %sub3A_103 : vector<16xi32>
        %sub3A_105 = vector.broadcast %scan3A_71 : i32 to vector<16xi32>
        %sub3A_106 = arith.subi %sub3A_104, %sub3A_105 : vector<16xi32>
        %sub3A_107 = vector.broadcast %mul3A_21 : i32 to vector<16xi32>
        %sub3A_108 = arith.subi %sub3A_106, %sub3A_107 : vector<16xi32>
        %mul3A_109 = arith.constant 16 : i32
        %mul3A_110 = vector.broadcast %mul3A_109 : i32 to vector<16xi32>
        %mul3A_111 = arith.muli %mul3A_110, %add3A_90 : vector<16xi32>
        %sub3A_112 = arith.constant -104 : i32
        %sub3A_113 = vector.broadcast %sub3A_112 : i32 to vector<16xi32>
        %sub3A_114 = arith.subi %sub3A_113, %mul3A_111 : vector<16xi32>
        %sub3A_115 = arith.constant 1 : i32
        %sub3A_116 = arith.subi %sub3A, %sub3A_115 : i32
        %shift_right_arithmetic3A_117 = arith.constant 4 : i32
        %shift_right_arithmetic3A_118 = arith.shrsi %sub3A_116, %shift_right_arithmetic3A_117 : i32
        %while3A_119 = arith.constant 0 : i32
        %while3A_120 = arith.subi %shift_right_arithmetic3A_118, %while3A_119 : i32
        %while3A_121 = arith.addi %while3A_119, %while3A_120 : i32
        %while3A_122 = arith.constant 1 : i32
        %while3A_123 = arith.divsi %while3A_120, %while3A_122 : i32
        %while3A_124 = arith.muli %while3A_123, %while3A_122 : i32
        %while3A_125 = arith.addi %while3A_119, %while3A_124 : i32
        %while3A_126 = arith.constant 1 : i32
        %while3A_127:4 = scf.for %while3A_191 = %while3A_119 to %while3A_125 step %while3A_126 iter_args(%while3A_192 = %sub3A_108, %while3A_193 = %sub3A_114, %while3A_194 = %sub3A_88, %while3A_195 = %scan3A_74) -> (vector<16xi32>, vector<16xi32>, i32, i32)  : i32 {
          %mul3A_196 = arith.constant 8192 : i32
          %mul3A_197 = arith.muli %while3A_195, %mul3A_196 : i32
          %add3A_198 = arith.constant 8304 : i32
          %add3A_199 = arith.addi %mul3A_197, %add3A_198 : i32
          %gt3A_200 = arith.cmpi sgt, %while3A_194, %add3A_199 : i32
          %add3A_201 = arith.constant 1 : i32
          %add3A_202 = arith.addi %while3A_195, %add3A_201 : i32
          %select_n3A_203 = arith.select %gt3A_200, %add3A_202, %while3A_195 : i32
          %convert_element_type3A_204 = arith.extui %gt3A_200 : i1 to i32
          %cond3A_205 = arith.constant 0 : i32
          %cond3A_206 = arith.cmpi ne, %convert_element_type3A_204, %cond3A_205 : i32
          scf.if %cond3A_206 {
            %le3A = arith.constant 14 : i32
            %le3A_230 = arith.cmpi sle, %select_n3A_203, %le3A : i32
            %convert_element_type3A_231 = arith.extui %le3A_230 : i1 to i32
            %cond3A_232 = arith.constant 0 : i32
            %cond3A_233 = arith.cmpi ne, %convert_element_type3A_231, %cond3A_232 : i32
            scf.if %cond3A_233 {
              %and3A_244 = arith.constant 1 : i32
              %and3A_245 = arith.andi %select_n3A_203, %and3A_244 : i32
              %eq3A_246 = arith.constant 0 : i32
              %eq3A_247 = arith.cmpi eq, %and3A_245, %eq3A_246 : i32
              %convert_element_type3A_248 = arith.extui %eq3A_247 : i1 to i32
              %cond3A_249 = arith.constant 0 : i32
              %cond3A_250 = arith.cmpi ne, %convert_element_type3A_248, %cond3A_249 : i32
              scf.if %cond3A_250 {
                %dma_wait3A_258 = arith.constant 0 : i32
                %dma_wait3A_259 = tpu.memref_slice %arg5[%dma_wait3A_258] : memref<16896xf32, #tpu.memory_space<vmem>> -> memref<8448xf32, #tpu.memory_space<vmem>>
                %dma_wait3A_260 = arith.constant 0 : i32
                %dma_wait3A_261 = tpu.memref_slice %arg2[%add3A_18, %dma_wait3A_260] : memref<96x130305xf32, #tpu.memory_space<hbm>> -> memref<1x8448xf32, #tpu.memory_space<hbm>>
                %dma_wait3A_262 = tpu.memref_squeeze %dma_wait3A_261 : memref<1x8448xf32, #tpu.memory_space<hbm>> -> memref<8448xf32, #tpu.memory_space<hbm>>
                %dma_wait3A_263 = arith.constant 0 : i32
                %dma_wait3A_264 = tpu.memref_slice %arg5[%dma_wait3A_263] : memref<16896xf32, #tpu.memory_space<vmem>> -> memref<8448xf32, #tpu.memory_space<vmem>>
                %dma_wait3A_265 = arith.constant 0 : i32
                %dma_wait3A_266 = tpu.memref_slice %arg2[%add3A_18, %dma_wait3A_265] : memref<96x130305xf32, #tpu.memory_space<hbm>> -> memref<1x8448xf32, #tpu.memory_space<hbm>>
                %dma_wait3A_267 = tpu.memref_squeeze %dma_wait3A_266 : memref<1x8448xf32, #tpu.memory_space<hbm>> -> memref<8448xf32, #tpu.memory_space<hbm>>
                tpu.wait_dma2 semaphore(%arg6 : memref<!tpu.dma_semaphore, #tpu.memory_space<semaphore_mem>>) src(%dma_wait3A_267 : memref<8448xf32, #tpu.memory_space<hbm>>) dst(%dma_wait3A_264 : memref<8448xf32, #tpu.memory_space<vmem>>)
              } else {
              }
              %and3A_251 = arith.constant 1 : i32
              %and3A_252 = arith.andi %select_n3A_203, %and3A_251 : i32
              %eq3A_253 = arith.constant 1 : i32
              %eq3A_254 = arith.cmpi eq, %and3A_252, %eq3A_253 : i32
              %convert_element_type3A_255 = arith.extui %eq3A_254 : i1 to i32
              %cond3A_256 = arith.constant 0 : i32
              %cond3A_257 = arith.cmpi ne, %convert_element_type3A_255, %cond3A_256 : i32
              scf.if %cond3A_257 {
                %dma_wait3A_258 = arith.constant 8448 : i32
                %dma_wait3A_259 = tpu.memref_slice %arg5[%dma_wait3A_258] : memref<16896xf32, #tpu.memory_space<vmem>> -> memref<8448xf32, #tpu.memory_space<vmem>>
                %dma_wait3A_260 = arith.constant 0 : i32
                %dma_wait3A_261 = tpu.memref_slice %arg2[%add3A_18, %dma_wait3A_260] : memref<96x130305xf32, #tpu.memory_space<hbm>> -> memref<1x8448xf32, #tpu.memory_space<hbm>>
                %dma_wait3A_262 = tpu.memref_squeeze %dma_wait3A_261 : memref<1x8448xf32, #tpu.memory_space<hbm>> -> memref<8448xf32, #tpu.memory_space<hbm>>
                %dma_wait3A_263 = arith.constant 8448 : i32
                %dma_wait3A_264 = tpu.memref_slice %arg5[%dma_wait3A_263] : memref<16896xf32, #tpu.memory_space<vmem>> -> memref<8448xf32, #tpu.memory_space<vmem>>
                %dma_wait3A_265 = arith.constant 0 : i32
                %dma_wait3A_266 = tpu.memref_slice %arg2[%add3A_18, %dma_wait3A_265] : memref<96x130305xf32, #tpu.memory_space<hbm>> -> memref<1x8448xf32, #tpu.memory_space<hbm>>
                %dma_wait3A_267 = tpu.memref_squeeze %dma_wait3A_266 : memref<1x8448xf32, #tpu.memory_space<hbm>> -> memref<8448xf32, #tpu.memory_space<hbm>>
                tpu.wait_dma2 semaphore(%arg7 : memref<!tpu.dma_semaphore, #tpu.memory_space<semaphore_mem>>) src(%dma_wait3A_267 : memref<8448xf32, #tpu.memory_space<hbm>>) dst(%dma_wait3A_264 : memref<8448xf32, #tpu.memory_space<vmem>>)
              } else {
              }
            } else {
            }
            %eq3A_234 = arith.constant 15 : i32
            %eq3A_235 = arith.cmpi eq, %select_n3A_203, %eq3A_234 : i32
            %convert_element_type3A_236 = arith.extui %eq3A_235 : i1 to i32
            %cond3A_237 = arith.constant 0 : i32
            %cond3A_238 = arith.cmpi ne, %convert_element_type3A_236, %cond3A_237 : i32
            scf.if %cond3A_238 {
              %and3A_244 = arith.constant 1 : i32
              %and3A_245 = arith.andi %select_n3A_203, %and3A_244 : i32
              %eq3A_246 = arith.constant 0 : i32
              %eq3A_247 = arith.cmpi eq, %and3A_245, %eq3A_246 : i32
              %convert_element_type3A_248 = arith.extui %eq3A_247 : i1 to i32
              %cond3A_249 = arith.constant 0 : i32
              %cond3A_250 = arith.cmpi ne, %convert_element_type3A_248, %cond3A_249 : i32
              scf.if %cond3A_250 {
                %dma_wait3A_258 = arith.constant 0 : i32
                %dma_wait3A_259 = tpu.memref_slice %arg5[%dma_wait3A_258] : memref<16896xf32, #tpu.memory_space<vmem>> -> memref<7552xf32, #tpu.memory_space<vmem>>
                %dma_wait3A_260 = arith.constant 0 : i32
                %dma_wait3A_261 = tpu.memref_slice %arg2[%add3A_18, %dma_wait3A_260] : memref<96x130305xf32, #tpu.memory_space<hbm>> -> memref<1x7552xf32, #tpu.memory_space<hbm>>
                %dma_wait3A_262 = tpu.memref_squeeze %dma_wait3A_261 : memref<1x7552xf32, #tpu.memory_space<hbm>> -> memref<7552xf32, #tpu.memory_space<hbm>>
                %dma_wait3A_263 = arith.constant 0 : i32
                %dma_wait3A_264 = tpu.memref_slice %arg5[%dma_wait3A_263] : memref<16896xf32, #tpu.memory_space<vmem>> -> memref<7552xf32, #tpu.memory_space<vmem>>
                %dma_wait3A_265 = arith.constant 0 : i32
                %dma_wait3A_266 = tpu.memref_slice %arg2[%add3A_18, %dma_wait3A_265] : memref<96x130305xf32, #tpu.memory_space<hbm>> -> memref<1x7552xf32, #tpu.memory_space<hbm>>
                %dma_wait3A_267 = tpu.memref_squeeze %dma_wait3A_266 : memref<1x7552xf32, #tpu.memory_space<hbm>> -> memref<7552xf32, #tpu.memory_space<hbm>>
                tpu.wait_dma2 semaphore(%arg6 : memref<!tpu.dma_semaphore, #tpu.memory_space<semaphore_mem>>) src(%dma_wait3A_267 : memref<7552xf32, #tpu.memory_space<hbm>>) dst(%dma_wait3A_264 : memref<7552xf32, #tpu.memory_space<vmem>>)
              } else {
              }
              %and3A_251 = arith.constant 1 : i32
              %and3A_252 = arith.andi %select_n3A_203, %and3A_251 : i32
              %eq3A_253 = arith.constant 1 : i32
              %eq3A_254 = arith.cmpi eq, %and3A_252, %eq3A_253 : i32
              %convert_element_type3A_255 = arith.extui %eq3A_254 : i1 to i32
              %cond3A_256 = arith.constant 0 : i32
              %cond3A_257 = arith.cmpi ne, %convert_element_type3A_255, %cond3A_256 : i32
              scf.if %cond3A_257 {
                %dma_wait3A_258 = arith.constant 8448 : i32
                %dma_wait3A_259 = tpu.memref_slice %arg5[%dma_wait3A_258] : memref<16896xf32, #tpu.memory_space<vmem>> -> memref<7552xf32, #tpu.memory_space<vmem>>
                %dma_wait3A_260 = arith.constant 0 : i32
                %dma_wait3A_261 = tpu.memref_slice %arg2[%add3A_18, %dma_wait3A_260] : memref<96x130305xf32, #tpu.memory_space<hbm>> -> memref<1x7552xf32, #tpu.memory_space<hbm>>
                %dma_wait3A_262 = tpu.memref_squeeze %dma_wait3A_261 : memref<1x7552xf32, #tpu.memory_space<hbm>> -> memref<7552xf32, #tpu.memory_space<hbm>>
                %dma_wait3A_263 = arith.constant 8448 : i32
                %dma_wait3A_264 = tpu.memref_slice %arg5[%dma_wait3A_263] : memref<16896xf32, #tpu.memory_space<vmem>> -> memref<7552xf32, #tpu.memory_space<vmem>>
                %dma_wait3A_265 = arith.constant 0 : i32
                %dma_wait3A_266 = tpu.memref_slice %arg2[%add3A_18, %dma_wait3A_265] : memref<96x130305xf32, #tpu.memory_space<hbm>> -> memref<1x7552xf32, #tpu.memory_space<hbm>>
                %dma_wait3A_267 = tpu.memref_squeeze %dma_wait3A_266 : memref<1x7552xf32, #tpu.memory_space<hbm>> -> memref<7552xf32, #tpu.memory_space<hbm>>
                tpu.wait_dma2 semaphore(%arg7 : memref<!tpu.dma_semaphore, #tpu.memory_space<semaphore_mem>>) src(%dma_wait3A_267 : memref<7552xf32, #tpu.memory_space<hbm>>) dst(%dma_wait3A_264 : memref<7552xf32, #tpu.memory_space<vmem>>)
              } else {
              }
            } else {
            }
            %le3A_239 = arith.constant 14 : i32
            %le3A_240 = arith.cmpi sle, %select_n3A_203, %le3A_239 : i32
            %convert_element_type3A_241 = arith.extui %le3A_240 : i1 to i32
            %cond3A_242 = arith.constant 0 : i32
            %cond3A_243 = arith.cmpi ne, %convert_element_type3A_241, %cond3A_242 : i32
            scf.if %cond3A_243 {
              %add3A_244 = arith.constant 1 : i32
              %add3A_245 = arith.addi %select_n3A_203, %add3A_244 : i32
              %eq3A_246 = arith.constant 0 : i32
              %eq3A_247 = arith.cmpi eq, %add3A_245, %eq3A_246 : i32
              %convert_element_type3A_248 = arith.extui %eq3A_247 : i1 to i32
              %cond3A_249 = arith.constant 0 : i32
              %cond3A_250 = arith.cmpi ne, %convert_element_type3A_248, %cond3A_249 : i32
              scf.if %cond3A_250 {
                %and3A_264 = arith.constant 1 : i32
                %and3A_265 = arith.andi %add3A_245, %and3A_264 : i32
                %eq3A_266 = arith.constant 0 : i32
                %eq3A_267 = arith.cmpi eq, %and3A_265, %eq3A_266 : i32
                %convert_element_type3A_268 = arith.extui %eq3A_267 : i1 to i32
                %cond3A_269 = arith.constant 0 : i32
                %cond3A_270 = arith.cmpi ne, %convert_element_type3A_268, %cond3A_269 : i32
                scf.if %cond3A_270 {
                  %dma_start3A_278 = arith.constant 0 : i32
                  %dma_start3A_279 = tpu.memref_slice %arg5[%dma_start3A_278] : memref<16896xf32, #tpu.memory_space<vmem>> -> memref<8448xf32, #tpu.memory_space<vmem>>
                  %dma_start3A_280 = arith.constant 0 : i32
                  %dma_start3A_281 = tpu.memref_slice %arg2[%add3A_18, %dma_start3A_280] : memref<96x130305xf32, #tpu.memory_space<hbm>> -> memref<1x8448xf32, #tpu.memory_space<hbm>>
                  %dma_start3A_282 = tpu.memref_squeeze %dma_start3A_281 : memref<1x8448xf32, #tpu.memory_space<hbm>> -> memref<8448xf32, #tpu.memory_space<hbm>>
                  %dma_start3A_283 = arith.constant 0 : i32
                  %dma_start3A_284 = tpu.memref_slice %arg5[%dma_start3A_283] : memref<16896xf32, #tpu.memory_space<vmem>> -> memref<8448xf32, #tpu.memory_space<vmem>>
                  %dma_start3A_285 = arith.constant 0 : i32
                  %dma_start3A_286 = tpu.memref_slice %arg2[%add3A_18, %dma_start3A_285] : memref<96x130305xf32, #tpu.memory_space<hbm>> -> memref<1x8448xf32, #tpu.memory_space<hbm>>
                  %dma_start3A_287 = tpu.memref_squeeze %dma_start3A_286 : memref<1x8448xf32, #tpu.memory_space<hbm>> -> memref<8448xf32, #tpu.memory_space<hbm>>
                  tpu.enqueue_dma source(%dma_start3A_287 : memref<8448xf32, #tpu.memory_space<hbm>>) target(%dma_start3A_284 : memref<8448xf32, #tpu.memory_space<vmem>>) target_semaphore(%arg6 : memref<!tpu.dma_semaphore, #tpu.memory_space<semaphore_mem>>)
                } else {
                }
                %and3A_271 = arith.constant 1 : i32
                %and3A_272 = arith.andi %add3A_245, %and3A_271 : i32
                %eq3A_273 = arith.constant 1 : i32
                %eq3A_274 = arith.cmpi eq, %and3A_272, %eq3A_273 : i32
                %convert_element_type3A_275 = arith.extui %eq3A_274 : i1 to i32
                %cond3A_276 = arith.constant 0 : i32
                %cond3A_277 = arith.cmpi ne, %convert_element_type3A_275, %cond3A_276 : i32
                scf.if %cond3A_277 {
                  %dma_start3A_278 = arith.constant 8448 : i32
                  %dma_start3A_279 = tpu.memref_slice %arg5[%dma_start3A_278] : memref<16896xf32, #tpu.memory_space<vmem>> -> memref<8448xf32, #tpu.memory_space<vmem>>
                  %dma_start3A_280 = arith.constant 0 : i32
                  %dma_start3A_281 = tpu.memref_slice %arg2[%add3A_18, %dma_start3A_280] : memref<96x130305xf32, #tpu.memory_space<hbm>> -> memref<1x8448xf32, #tpu.memory_space<hbm>>
                  %dma_start3A_282 = tpu.memref_squeeze %dma_start3A_281 : memref<1x8448xf32, #tpu.memory_space<hbm>> -> memref<8448xf32, #tpu.memory_space<hbm>>
                  %dma_start3A_283 = arith.constant 8448 : i32
                  %dma_start3A_284 = tpu.memref_slice %arg5[%dma_start3A_283] : memref<16896xf32, #tpu.memory_space<vmem>> -> memref<8448xf32, #tpu.memory_space<vmem>>
                  %dma_start3A_285 = arith.constant 0 : i32
                  %dma_start3A_286 = tpu.memref_slice %arg2[%add3A_18, %dma_start3A_285] : memref<96x130305xf32, #tpu.memory_space<hbm>> -> memref<1x8448xf32, #tpu.memory_space<hbm>>
                  %dma_start3A_287 = tpu.memref_squeeze %dma_start3A_286 : memref<1x8448xf32, #tpu.memory_space<hbm>> -> memref<8448xf32, #tpu.memory_space<hbm>>
                  tpu.enqueue_dma source(%dma_start3A_287 : memref<8448xf32, #tpu.memory_space<hbm>>) target(%dma_start3A_284 : memref<8448xf32, #tpu.memory_space<vmem>>) target_semaphore(%arg7 : memref<!tpu.dma_semaphore, #tpu.memory_space<semaphore_mem>>)
                } else {
                }
              } else {
              }
              %ge3A_251 = arith.constant 1 : i32
              %ge3A_252 = arith.cmpi sge, %add3A_245, %ge3A_251 : i32
              %le3A_253 = arith.constant 14 : i32
              %le3A_254 = arith.cmpi sle, %add3A_245, %le3A_253 : i32
              %and3A_255 = arith.andi %ge3A_252, %le3A_254 : i1
              %convert_element_type3A_256 = arith.extui %and3A_255 : i1 to i32
              %cond3A_257 = arith.constant 0 : i32
              %cond3A_258 = arith.cmpi ne, %convert_element_type3A_256, %cond3A_257 : i32
              scf.if %cond3A_258 {
                %mul3A_264 = arith.constant 8192 : i32
                %mul3A_265 = arith.muli %add3A_245, %mul3A_264 : i32
                %sub3A_266 = arith.constant 128 : i32
                %sub3A_267 = arith.subi %mul3A_265, %sub3A_266 : i32
                %and3A_268 = arith.constant 1 : i32
                %and3A_269 = arith.andi %add3A_245, %and3A_268 : i32
                %eq3A_270 = arith.constant 0 : i32
                %eq3A_271 = arith.cmpi eq, %and3A_269, %eq3A_270 : i32
                %convert_element_type3A_272 = arith.extui %eq3A_271 : i1 to i32
                %cond3A_273 = arith.constant 0 : i32
                %cond3A_274 = arith.cmpi ne, %convert_element_type3A_272, %cond3A_273 : i32
                scf.if %cond3A_274 {
                  %dma_start3A_282 = arith.constant 0 : i32
                  %dma_start3A_283 = tpu.memref_slice %arg5[%dma_start3A_282] : memref<16896xf32, #tpu.memory_space<vmem>> -> memref<8448xf32, #tpu.memory_space<vmem>>
                  %dma_start3A_284 = tpu.memref_slice %arg2[%add3A_18, %sub3A_267] : memref<96x130305xf32, #tpu.memory_space<hbm>> -> memref<1x8448xf32, #tpu.memory_space<hbm>>
                  %dma_start3A_285 = tpu.memref_squeeze %dma_start3A_284 : memref<1x8448xf32, #tpu.memory_space<hbm>> -> memref<8448xf32, #tpu.memory_space<hbm>>
                  %dma_start3A_286 = arith.constant 0 : i32
                  %dma_start3A_287 = tpu.memref_slice %arg5[%dma_start3A_286] : memref<16896xf32, #tpu.memory_space<vmem>> -> memref<8448xf32, #tpu.memory_space<vmem>>
                  %dma_start3A_288 = tpu.memref_slice %arg2[%add3A_18, %sub3A_267] : memref<96x130305xf32, #tpu.memory_space<hbm>> -> memref<1x8448xf32, #tpu.memory_space<hbm>>
                  %dma_start3A_289 = tpu.memref_squeeze %dma_start3A_288 : memref<1x8448xf32, #tpu.memory_space<hbm>> -> memref<8448xf32, #tpu.memory_space<hbm>>
                  tpu.enqueue_dma source(%dma_start3A_289 : memref<8448xf32, #tpu.memory_space<hbm>>) target(%dma_start3A_287 : memref<8448xf32, #tpu.memory_space<vmem>>) target_semaphore(%arg6 : memref<!tpu.dma_semaphore, #tpu.memory_space<semaphore_mem>>)
                } else {
                }
                %and3A_275 = arith.constant 1 : i32
                %and3A_276 = arith.andi %add3A_245, %and3A_275 : i32
                %eq3A_277 = arith.constant 1 : i32
                %eq3A_278 = arith.cmpi eq, %and3A_276, %eq3A_277 : i32
                %convert_element_type3A_279 = arith.extui %eq3A_278 : i1 to i32
                %cond3A_280 = arith.constant 0 : i32
                %cond3A_281 = arith.cmpi ne, %convert_element_type3A_279, %cond3A_280 : i32
                scf.if %cond3A_281 {
                  %dma_start3A_282 = arith.constant 8448 : i32
                  %dma_start3A_283 = tpu.memref_slice %arg5[%dma_start3A_282] : memref<16896xf32, #tpu.memory_space<vmem>> -> memref<8448xf32, #tpu.memory_space<vmem>>
                  %dma_start3A_284 = tpu.memref_slice %arg2[%add3A_18, %sub3A_267] : memref<96x130305xf32, #tpu.memory_space<hbm>> -> memref<1x8448xf32, #tpu.memory_space<hbm>>
                  %dma_start3A_285 = tpu.memref_squeeze %dma_start3A_284 : memref<1x8448xf32, #tpu.memory_space<hbm>> -> memref<8448xf32, #tpu.memory_space<hbm>>
                  %dma_start3A_286 = arith.constant 8448 : i32
                  %dma_start3A_287 = tpu.memref_slice %arg5[%dma_start3A_286] : memref<16896xf32, #tpu.memory_space<vmem>> -> memref<8448xf32, #tpu.memory_space<vmem>>
                  %dma_start3A_288 = tpu.memref_slice %arg2[%add3A_18, %sub3A_267] : memref<96x130305xf32, #tpu.memory_space<hbm>> -> memref<1x8448xf32, #tpu.memory_space<hbm>>
                  %dma_start3A_289 = tpu.memref_squeeze %dma_start3A_288 : memref<1x8448xf32, #tpu.memory_space<hbm>> -> memref<8448xf32, #tpu.memory_space<hbm>>
                  tpu.enqueue_dma source(%dma_start3A_289 : memref<8448xf32, #tpu.memory_space<hbm>>) target(%dma_start3A_287 : memref<8448xf32, #tpu.memory_space<vmem>>) target_semaphore(%arg7 : memref<!tpu.dma_semaphore, #tpu.memory_space<semaphore_mem>>)
                } else {
                }
              } else {
              }
              %eq3A_259 = arith.constant 15 : i32
              %eq3A_260 = arith.cmpi eq, %add3A_245, %eq3A_259 : i32
              %convert_element_type3A_261 = arith.extui %eq3A_260 : i1 to i32
              %cond3A_262 = arith.constant 0 : i32
              %cond3A_263 = arith.cmpi ne, %convert_element_type3A_261, %cond3A_262 : i32
              scf.if %cond3A_263 {
                %and3A_264 = arith.constant 1 : i32
                %and3A_265 = arith.andi %add3A_245, %and3A_264 : i32
                %eq3A_266 = arith.constant 0 : i32
                %eq3A_267 = arith.cmpi eq, %and3A_265, %eq3A_266 : i32
                %convert_element_type3A_268 = arith.extui %eq3A_267 : i1 to i32
                %cond3A_269 = arith.constant 0 : i32
                %cond3A_270 = arith.cmpi ne, %convert_element_type3A_268, %cond3A_269 : i32
                scf.if %cond3A_270 {
                  %dma_start3A_278 = arith.constant 0 : i32
                  %dma_start3A_279 = tpu.memref_slice %arg5[%dma_start3A_278] : memref<16896xf32, #tpu.memory_space<vmem>> -> memref<7552xf32, #tpu.memory_space<vmem>>
                  %dma_start3A_280 = arith.constant 122752 : i32
                  %dma_start3A_281 = tpu.memref_slice %arg2[%add3A_18, %dma_start3A_280] : memref<96x130305xf32, #tpu.memory_space<hbm>> -> memref<1x7552xf32, #tpu.memory_space<hbm>>
                  %dma_start3A_282 = tpu.memref_squeeze %dma_start3A_281 : memref<1x7552xf32, #tpu.memory_space<hbm>> -> memref<7552xf32, #tpu.memory_space<hbm>>
                  %dma_start3A_283 = arith.constant 0 : i32
                  %dma_start3A_284 = tpu.memref_slice %arg5[%dma_start3A_283] : memref<16896xf32, #tpu.memory_space<vmem>> -> memref<7552xf32, #tpu.memory_space<vmem>>
                  %dma_start3A_285 = arith.constant 122752 : i32
                  %dma_start3A_286 = tpu.memref_slice %arg2[%add3A_18, %dma_start3A_285] : memref<96x130305xf32, #tpu.memory_space<hbm>> -> memref<1x7552xf32, #tpu.memory_space<hbm>>
                  %dma_start3A_287 = tpu.memref_squeeze %dma_start3A_286 : memref<1x7552xf32, #tpu.memory_space<hbm>> -> memref<7552xf32, #tpu.memory_space<hbm>>
                  tpu.enqueue_dma source(%dma_start3A_287 : memref<7552xf32, #tpu.memory_space<hbm>>) target(%dma_start3A_284 : memref<7552xf32, #tpu.memory_space<vmem>>) target_semaphore(%arg6 : memref<!tpu.dma_semaphore, #tpu.memory_space<semaphore_mem>>)
                } else {
                }
                %and3A_271 = arith.constant 1 : i32
                %and3A_272 = arith.andi %add3A_245, %and3A_271 : i32
                %eq3A_273 = arith.constant 1 : i32
                %eq3A_274 = arith.cmpi eq, %and3A_272, %eq3A_273 : i32
                %convert_element_type3A_275 = arith.extui %eq3A_274 : i1 to i32
                %cond3A_276 = arith.constant 0 : i32
                %cond3A_277 = arith.cmpi ne, %convert_element_type3A_275, %cond3A_276 : i32
                scf.if %cond3A_277 {
                  %dma_start3A_278 = arith.constant 8448 : i32
                  %dma_start3A_279 = tpu.memref_slice %arg5[%dma_start3A_278] : memref<16896xf32, #tpu.memory_space<vmem>> -> memref<7552xf32, #tpu.memory_space<vmem>>
                  %dma_start3A_280 = arith.constant 122752 : i32
                  %dma_start3A_281 = tpu.memref_slice %arg2[%add3A_18, %dma_start3A_280] : memref<96x130305xf32, #tpu.memory_space<hbm>> -> memref<1x7552xf32, #tpu.memory_space<hbm>>
                  %dma_start3A_282 = tpu.memref_squeeze %dma_start3A_281 : memref<1x7552xf32, #tpu.memory_space<hbm>> -> memref<7552xf32, #tpu.memory_space<hbm>>
                  %dma_start3A_283 = arith.constant 8448 : i32
                  %dma_start3A_284 = tpu.memref_slice %arg5[%dma_start3A_283] : memref<16896xf32, #tpu.memory_space<vmem>> -> memref<7552xf32, #tpu.memory_space<vmem>>
                  %dma_start3A_285 = arith.constant 122752 : i32
                  %dma_start3A_286 = tpu.memref_slice %arg2[%add3A_18, %dma_start3A_285] : memref<96x130305xf32, #tpu.memory_space<hbm>> -> memref<1x7552xf32, #tpu.memory_space<hbm>>
                  %dma_start3A_287 = tpu.memref_squeeze %dma_start3A_286 : memref<1x7552xf32, #tpu.memory_space<hbm>> -> memref<7552xf32, #tpu.memory_space<hbm>>
                  tpu.enqueue_dma source(%dma_start3A_287 : memref<7552xf32, #tpu.memory_space<hbm>>) target(%dma_start3A_284 : memref<7552xf32, #tpu.memory_space<vmem>>) target_semaphore(%arg7 : memref<!tpu.dma_semaphore, #tpu.memory_space<semaphore_mem>>)
                } else {
                }
              } else {
              }
            } else {
            }
          } else {
          }
          %eq3A_207 = arith.constant 0 : i32
          %eq3A_208 = arith.cmpi eq, %select_n3A_203, %eq3A_207 : i32
          %mul3A_209 = arith.constant 8192 : i32
          %mul3A_210 = arith.muli %select_n3A_203, %mul3A_209 : i32
          %sub3A_211 = arith.constant 128 : i32
          %sub3A_212 = arith.subi %mul3A_210, %sub3A_211 : i32
          %jit3A_213 = arith.constant 0 : i32
          %select_n3A_214 = arith.select %eq3A_208, %jit3A_213, %sub3A_212 : i32
          %and3A_215 = arith.constant 1 : i32
          %and3A_216 = arith.andi %select_n3A_203, %and3A_215 : i32
          %mul3A_217 = arith.constant 8448 : i32
          %mul3A_218 = arith.muli %and3A_216, %mul3A_217 : i32
          %sub3A_219 = arith.subi %while3A_194, %select_n3A_214 : i32
          %add3A_220 = arith.addi %mul3A_218, %sub3A_219 : i32
          %add3A_221 = vector.broadcast %add3A_220 : i32 to vector<16xi32>
          %add3A_222 = arith.addi %add3A_221, %iota3A : vector<16xi32>
          %gather3A_223 = tpu.vector_load_idx %arg5[%add3A_222] : memref<16896xf32, #tpu.memory_space<vmem>>[vector<16xi32>], vector<16xf32>,
          tpu.vector_store_idx %arg4[%while3A_192], %gather3A_223 : memref<65152xf32, #tpu.memory_space<vmem>>[vector<16xi32>], vector<16xf32>,
          %add3A_224 = arith.addi %while3A_192, %while3A_193 : vector<16xi32>
          %sub3A_225 = arith.constant 256 : i32
          %sub3A_226 = vector.broadcast %sub3A_225 : i32 to vector<16xi32>
          %sub3A_227 = arith.subi %while3A_193, %sub3A_226 : vector<16xi32>
          %add3A_228 = arith.constant 16 : i32
          %add3A_229 = arith.addi %while3A_194, %add3A_228 : i32
          scf.yield %add3A_224, %sub3A_227, %add3A_229, %select_n3A_203 : vector<16xi32>, vector<16xi32>, i32, i32
        }
        %while3A_128 = arith.constant 1 : i32
        %while3A_129:4 = scf.for %while3A_191 = %while3A_125 to %while3A_121 step %while3A_128 iter_args(%while3A_192 = %while3A_127#0, %while3A_193 = %while3A_127#1, %while3A_194 = %while3A_127#2, %while3A_195 = %while3A_127#3) -> (vector<16xi32>, vector<16xi32>, i32, i32)  : i32 {
          %mul3A_196 = arith.constant 8192 : i32
          %mul3A_197 = arith.muli %while3A_195, %mul3A_196 : i32
          %add3A_198 = arith.constant 8304 : i32
          %add3A_199 = arith.addi %mul3A_197, %add3A_198 : i32
          %gt3A_200 = arith.cmpi sgt, %while3A_194, %add3A_199 : i32
          %add3A_201 = arith.constant 1 : i32
          %add3A_202 = arith.addi %while3A_195, %add3A_201 : i32
          %select_n3A_203 = arith.select %gt3A_200, %add3A_202, %while3A_195 : i32
          %convert_element_type3A_204 = arith.extui %gt3A_200 : i1 to i32
          %cond3A_205 = arith.constant 0 : i32
          %cond3A_206 = arith.cmpi ne, %convert_element_type3A_204, %cond3A_205 : i32
          scf.if %cond3A_206 {
            %le3A = arith.constant 14 : i32
            %le3A_230 = arith.cmpi sle, %select_n3A_203, %le3A : i32
            %convert_element_type3A_231 = arith.extui %le3A_230 : i1 to i32
            %cond3A_232 = arith.constant 0 : i32
            %cond3A_233 = arith.cmpi ne, %convert_element_type3A_231, %cond3A_232 : i32
            scf.if %cond3A_233 {
              %and3A_244 = arith.constant 1 : i32
              %and3A_245 = arith.andi %select_n3A_203, %and3A_244 : i32
              %eq3A_246 = arith.constant 0 : i32
              %eq3A_247 = arith.cmpi eq, %and3A_245, %eq3A_246 : i32
              %convert_element_type3A_248 = arith.extui %eq3A_247 : i1 to i32
              %cond3A_249 = arith.constant 0 : i32
              %cond3A_250 = arith.cmpi ne, %convert_element_type3A_248, %cond3A_249 : i32
              scf.if %cond3A_250 {
                %dma_wait3A_258 = arith.constant 0 : i32
                %dma_wait3A_259 = tpu.memref_slice %arg5[%dma_wait3A_258] : memref<16896xf32, #tpu.memory_space<vmem>> -> memref<8448xf32, #tpu.memory_space<vmem>>
                %dma_wait3A_260 = arith.constant 0 : i32
                %dma_wait3A_261 = tpu.memref_slice %arg2[%add3A_18, %dma_wait3A_260] : memref<96x130305xf32, #tpu.memory_space<hbm>> -> memref<1x8448xf32, #tpu.memory_space<hbm>>
                %dma_wait3A_262 = tpu.memref_squeeze %dma_wait3A_261 : memref<1x8448xf32, #tpu.memory_space<hbm>> -> memref<8448xf32, #tpu.memory_space<hbm>>
                %dma_wait3A_263 = arith.constant 0 : i32
                %dma_wait3A_264 = tpu.memref_slice %arg5[%dma_wait3A_263] : memref<16896xf32, #tpu.memory_space<vmem>> -> memref<8448xf32, #tpu.memory_space<vmem>>
                %dma_wait3A_265 = arith.constant 0 : i32
                %dma_wait3A_266 = tpu.memref_slice %arg2[%add3A_18, %dma_wait3A_265] : memref<96x130305xf32, #tpu.memory_space<hbm>> -> memref<1x8448xf32, #tpu.memory_space<hbm>>
                %dma_wait3A_267 = tpu.memref_squeeze %dma_wait3A_266 : memref<1x8448xf32, #tpu.memory_space<hbm>> -> memref<8448xf32, #tpu.memory_space<hbm>>
                tpu.wait_dma2 semaphore(%arg6 : memref<!tpu.dma_semaphore, #tpu.memory_space<semaphore_mem>>) src(%dma_wait3A_267 : memref<8448xf32, #tpu.memory_space<hbm>>) dst(%dma_wait3A_264 : memref<8448xf32, #tpu.memory_space<vmem>>)
              } else {
              }
              %and3A_251 = arith.constant 1 : i32
              %and3A_252 = arith.andi %select_n3A_203, %and3A_251 : i32
              %eq3A_253 = arith.constant 1 : i32
              %eq3A_254 = arith.cmpi eq, %and3A_252, %eq3A_253 : i32
              %convert_element_type3A_255 = arith.extui %eq3A_254 : i1 to i32
              %cond3A_256 = arith.constant 0 : i32
              %cond3A_257 = arith.cmpi ne, %convert_element_type3A_255, %cond3A_256 : i32
              scf.if %cond3A_257 {
                %dma_wait3A_258 = arith.constant 8448 : i32
                %dma_wait3A_259 = tpu.memref_slice %arg5[%dma_wait3A_258] : memref<16896xf32, #tpu.memory_space<vmem>> -> memref<8448xf32, #tpu.memory_space<vmem>>
                %dma_wait3A_260 = arith.constant 0 : i32
                %dma_wait3A_261 = tpu.memref_slice %arg2[%add3A_18, %dma_wait3A_260] : memref<96x130305xf32, #tpu.memory_space<hbm>> -> memref<1x8448xf32, #tpu.memory_space<hbm>>
                %dma_wait3A_262 = tpu.memref_squeeze %dma_wait3A_261 : memref<1x8448xf32, #tpu.memory_space<hbm>> -> memref<8448xf32, #tpu.memory_space<hbm>>
                %dma_wait3A_263 = arith.constant 8448 : i32
                %dma_wait3A_264 = tpu.memref_slice %arg5[%dma_wait3A_263] : memref<16896xf32, #tpu.memory_space<vmem>> -> memref<8448xf32, #tpu.memory_space<vmem>>
                %dma_wait3A_265 = arith.constant 0 : i32
                %dma_wait3A_266 = tpu.memref_slice %arg2[%add3A_18, %dma_wait3A_265] : memref<96x130305xf32, #tpu.memory_space<hbm>> -> memref<1x8448xf32, #tpu.memory_space<hbm>>
                %dma_wait3A_267 = tpu.memref_squeeze %dma_wait3A_266 : memref<1x8448xf32, #tpu.memory_space<hbm>> -> memref<8448xf32, #tpu.memory_space<hbm>>
                tpu.wait_dma2 semaphore(%arg7 : memref<!tpu.dma_semaphore, #tpu.memory_space<semaphore_mem>>) src(%dma_wait3A_267 : memref<8448xf32, #tpu.memory_space<hbm>>) dst(%dma_wait3A_264 : memref<8448xf32, #tpu.memory_space<vmem>>)
              } else {
              }
            } else {
            }
            %eq3A_234 = arith.constant 15 : i32
            %eq3A_235 = arith.cmpi eq, %select_n3A_203, %eq3A_234 : i32
            %convert_element_type3A_236 = arith.extui %eq3A_235 : i1 to i32
            %cond3A_237 = arith.constant 0 : i32
            %cond3A_238 = arith.cmpi ne, %convert_element_type3A_236, %cond3A_237 : i32
            scf.if %cond3A_238 {
              %and3A_244 = arith.constant 1 : i32
              %and3A_245 = arith.andi %select_n3A_203, %and3A_244 : i32
              %eq3A_246 = arith.constant 0 : i32
              %eq3A_247 = arith.cmpi eq, %and3A_245, %eq3A_246 : i32
              %convert_element_type3A_248 = arith.extui %eq3A_247 : i1 to i32
              %cond3A_249 = arith.constant 0 : i32
              %cond3A_250 = arith.cmpi ne, %convert_element_type3A_248, %cond3A_249 : i32
              scf.if %cond3A_250 {
                %dma_wait3A_258 = arith.constant 0 : i32
                %dma_wait3A_259 = tpu.memref_slice %arg5[%dma_wait3A_258] : memref<16896xf32, #tpu.memory_space<vmem>> -> memref<7552xf32, #tpu.memory_space<vmem>>
                %dma_wait3A_260 = arith.constant 0 : i32
                %dma_wait3A_261 = tpu.memref_slice %arg2[%add3A_18, %dma_wait3A_260] : memref<96x130305xf32, #tpu.memory_space<hbm>> -> memref<1x7552xf32, #tpu.memory_space<hbm>>
                %dma_wait3A_262 = tpu.memref_squeeze %dma_wait3A_261 : memref<1x7552xf32, #tpu.memory_space<hbm>> -> memref<7552xf32, #tpu.memory_space<hbm>>
                %dma_wait3A_263 = arith.constant 0 : i32
                %dma_wait3A_264 = tpu.memref_slice %arg5[%dma_wait3A_263] : memref<16896xf32, #tpu.memory_space<vmem>> -> memref<7552xf32, #tpu.memory_space<vmem>>
                %dma_wait3A_265 = arith.constant 0 : i32
                %dma_wait3A_266 = tpu.memref_slice %arg2[%add3A_18, %dma_wait3A_265] : memref<96x130305xf32, #tpu.memory_space<hbm>> -> memref<1x7552xf32, #tpu.memory_space<hbm>>
                %dma_wait3A_267 = tpu.memref_squeeze %dma_wait3A_266 : memref<1x7552xf32, #tpu.memory_space<hbm>> -> memref<7552xf32, #tpu.memory_space<hbm>>
                tpu.wait_dma2 semaphore(%arg6 : memref<!tpu.dma_semaphore, #tpu.memory_space<semaphore_mem>>) src(%dma_wait3A_267 : memref<7552xf32, #tpu.memory_space<hbm>>) dst(%dma_wait3A_264 : memref<7552xf32, #tpu.memory_space<vmem>>)
              } else {
              }
              %and3A_251 = arith.constant 1 : i32
              %and3A_252 = arith.andi %select_n3A_203, %and3A_251 : i32
              %eq3A_253 = arith.constant 1 : i32
              %eq3A_254 = arith.cmpi eq, %and3A_252, %eq3A_253 : i32
              %convert_element_type3A_255 = arith.extui %eq3A_254 : i1 to i32
              %cond3A_256 = arith.constant 0 : i32
              %cond3A_257 = arith.cmpi ne, %convert_element_type3A_255, %cond3A_256 : i32
              scf.if %cond3A_257 {
                %dma_wait3A_258 = arith.constant 8448 : i32
                %dma_wait3A_259 = tpu.memref_slice %arg5[%dma_wait3A_258] : memref<16896xf32, #tpu.memory_space<vmem>> -> memref<7552xf32, #tpu.memory_space<vmem>>
                %dma_wait3A_260 = arith.constant 0 : i32
                %dma_wait3A_261 = tpu.memref_slice %arg2[%add3A_18, %dma_wait3A_260] : memref<96x130305xf32, #tpu.memory_space<hbm>> -> memref<1x7552xf32, #tpu.memory_space<hbm>>
                %dma_wait3A_262 = tpu.memref_squeeze %dma_wait3A_261 : memref<1x7552xf32, #tpu.memory_space<hbm>> -> memref<7552xf32, #tpu.memory_space<hbm>>
                %dma_wait3A_263 = arith.constant 8448 : i32
                %dma_wait3A_264 = tpu.memref_slice %arg5[%dma_wait3A_263] : memref<16896xf32, #tpu.memory_space<vmem>> -> memref<7552xf32, #tpu.memory_space<vmem>>
                %dma_wait3A_265 = arith.constant 0 : i32
                %dma_wait3A_266 = tpu.memref_slice %arg2[%add3A_18, %dma_wait3A_265] : memref<96x130305xf32, #tpu.memory_space<hbm>> -> memref<1x7552xf32, #tpu.memory_space<hbm>>
                %dma_wait3A_267 = tpu.memref_squeeze %dma_wait3A_266 : memref<1x7552xf32, #tpu.memory_space<hbm>> -> memref<7552xf32, #tpu.memory_space<hbm>>
                tpu.wait_dma2 semaphore(%arg7 : memref<!tpu.dma_semaphore, #tpu.memory_space<semaphore_mem>>) src(%dma_wait3A_267 : memref<7552xf32, #tpu.memory_space<hbm>>) dst(%dma_wait3A_264 : memref<7552xf32, #tpu.memory_space<vmem>>)
              } else {
              }
            } else {
            }
            %le3A_239 = arith.constant 14 : i32
            %le3A_240 = arith.cmpi sle, %select_n3A_203, %le3A_239 : i32
            %convert_element_type3A_241 = arith.extui %le3A_240 : i1 to i32
            %cond3A_242 = arith.constant 0 : i32
            %cond3A_243 = arith.cmpi ne, %convert_element_type3A_241, %cond3A_242 : i32
            scf.if %cond3A_243 {
              %add3A_244 = arith.constant 1 : i32
              %add3A_245 = arith.addi %select_n3A_203, %add3A_244 : i32
              %eq3A_246 = arith.constant 0 : i32
              %eq3A_247 = arith.cmpi eq, %add3A_245, %eq3A_246 : i32
              %convert_element_type3A_248 = arith.extui %eq3A_247 : i1 to i32
              %cond3A_249 = arith.constant 0 : i32
              %cond3A_250 = arith.cmpi ne, %convert_element_type3A_248, %cond3A_249 : i32
              scf.if %cond3A_250 {
                %and3A_264 = arith.constant 1 : i32
                %and3A_265 = arith.andi %add3A_245, %and3A_264 : i32
                %eq3A_266 = arith.constant 0 : i32
                %eq3A_267 = arith.cmpi eq, %and3A_265, %eq3A_266 : i32
                %convert_element_type3A_268 = arith.extui %eq3A_267 : i1 to i32
                %cond3A_269 = arith.constant 0 : i32
                %cond3A_270 = arith.cmpi ne, %convert_element_type3A_268, %cond3A_269 : i32
                scf.if %cond3A_270 {
                  %dma_start3A_278 = arith.constant 0 : i32
                  %dma_start3A_279 = tpu.memref_slice %arg5[%dma_start3A_278] : memref<16896xf32, #tpu.memory_space<vmem>> -> memref<8448xf32, #tpu.memory_space<vmem>>
                  %dma_start3A_280 = arith.constant 0 : i32
                  %dma_start3A_281 = tpu.memref_slice %arg2[%add3A_18, %dma_start3A_280] : memref<96x130305xf32, #tpu.memory_space<hbm>> -> memref<1x8448xf32, #tpu.memory_space<hbm>>
                  %dma_start3A_282 = tpu.memref_squeeze %dma_start3A_281 : memref<1x8448xf32, #tpu.memory_space<hbm>> -> memref<8448xf32, #tpu.memory_space<hbm>>
                  %dma_start3A_283 = arith.constant 0 : i32
                  %dma_start3A_284 = tpu.memref_slice %arg5[%dma_start3A_283] : memref<16896xf32, #tpu.memory_space<vmem>> -> memref<8448xf32, #tpu.memory_space<vmem>>
                  %dma_start3A_285 = arith.constant 0 : i32
                  %dma_start3A_286 = tpu.memref_slice %arg2[%add3A_18, %dma_start3A_285] : memref<96x130305xf32, #tpu.memory_space<hbm>> -> memref<1x8448xf32, #tpu.memory_space<hbm>>
                  %dma_start3A_287 = tpu.memref_squeeze %dma_start3A_286 : memref<1x8448xf32, #tpu.memory_space<hbm>> -> memref<8448xf32, #tpu.memory_space<hbm>>
                  tpu.enqueue_dma source(%dma_start3A_287 : memref<8448xf32, #tpu.memory_space<hbm>>) target(%dma_start3A_284 : memref<8448xf32, #tpu.memory_space<vmem>>) target_semaphore(%arg6 : memref<!tpu.dma_semaphore, #tpu.memory_space<semaphore_mem>>)
                } else {
                }
                %and3A_271 = arith.constant 1 : i32
                %and3A_272 = arith.andi %add3A_245, %and3A_271 : i32
                %eq3A_273 = arith.constant 1 : i32
                %eq3A_274 = arith.cmpi eq, %and3A_272, %eq3A_273 : i32
                %convert_element_type3A_275 = arith.extui %eq3A_274 : i1 to i32
                %cond3A_276 = arith.constant 0 : i32
                %cond3A_277 = arith.cmpi ne, %convert_element_type3A_275, %cond3A_276 : i32
                scf.if %cond3A_277 {
                  %dma_start3A_278 = arith.constant 8448 : i32
                  %dma_start3A_279 = tpu.memref_slice %arg5[%dma_start3A_278] : memref<16896xf32, #tpu.memory_space<vmem>> -> memref<8448xf32, #tpu.memory_space<vmem>>
                  %dma_start3A_280 = arith.constant 0 : i32
                  %dma_start3A_281 = tpu.memref_slice %arg2[%add3A_18, %dma_start3A_280] : memref<96x130305xf32, #tpu.memory_space<hbm>> -> memref<1x8448xf32, #tpu.memory_space<hbm>>
                  %dma_start3A_282 = tpu.memref_squeeze %dma_start3A_281 : memref<1x8448xf32, #tpu.memory_space<hbm>> -> memref<8448xf32, #tpu.memory_space<hbm>>
                  %dma_start3A_283 = arith.constant 8448 : i32
                  %dma_start3A_284 = tpu.memref_slice %arg5[%dma_start3A_283] : memref<16896xf32, #tpu.memory_space<vmem>> -> memref<8448xf32, #tpu.memory_space<vmem>>
                  %dma_start3A_285 = arith.constant 0 : i32
                  %dma_start3A_286 = tpu.memref_slice %arg2[%add3A_18, %dma_start3A_285] : memref<96x130305xf32, #tpu.memory_space<hbm>> -> memref<1x8448xf32, #tpu.memory_space<hbm>>
                  %dma_start3A_287 = tpu.memref_squeeze %dma_start3A_286 : memref<1x8448xf32, #tpu.memory_space<hbm>> -> memref<8448xf32, #tpu.memory_space<hbm>>
                  tpu.enqueue_dma source(%dma_start3A_287 : memref<8448xf32, #tpu.memory_space<hbm>>) target(%dma_start3A_284 : memref<8448xf32, #tpu.memory_space<vmem>>) target_semaphore(%arg7 : memref<!tpu.dma_semaphore, #tpu.memory_space<semaphore_mem>>)
                } else {
                }
              } else {
              }
              %ge3A_251 = arith.constant 1 : i32
              %ge3A_252 = arith.cmpi sge, %add3A_245, %ge3A_251 : i32
              %le3A_253 = arith.constant 14 : i32
              %le3A_254 = arith.cmpi sle, %add3A_245, %le3A_253 : i32
              %and3A_255 = arith.andi %ge3A_252, %le3A_254 : i1
              %convert_element_type3A_256 = arith.extui %and3A_255 : i1 to i32
              %cond3A_257 = arith.constant 0 : i32
              %cond3A_258 = arith.cmpi ne, %convert_element_type3A_256, %cond3A_257 : i32
              scf.if %cond3A_258 {
                %mul3A_264 = arith.constant 8192 : i32
                %mul3A_265 = arith.muli %add3A_245, %mul3A_264 : i32
                %sub3A_266 = arith.constant 128 : i32
                %sub3A_267 = arith.subi %mul3A_265, %sub3A_266 : i32
                %and3A_268 = arith.constant 1 : i32
                %and3A_269 = arith.andi %add3A_245, %and3A_268 : i32
                %eq3A_270 = arith.constant 0 : i32
                %eq3A_271 = arith.cmpi eq, %and3A_269, %eq3A_270 : i32
                %convert_element_type3A_272 = arith.extui %eq3A_271 : i1 to i32
                %cond3A_273 = arith.constant 0 : i32
                %cond3A_274 = arith.cmpi ne, %convert_element_type3A_272, %cond3A_273 : i32
                scf.if %cond3A_274 {
                  %dma_start3A_282 = arith.constant 0 : i32
                  %dma_start3A_283 = tpu.memref_slice %arg5[%dma_start3A_282] : memref<16896xf32, #tpu.memory_space<vmem>> -> memref<8448xf32, #tpu.memory_space<vmem>>
                  %dma_start3A_284 = tpu.memref_slice %arg2[%add3A_18, %sub3A_267] : memref<96x130305xf32, #tpu.memory_space<hbm>> -> memref<1x8448xf32, #tpu.memory_space<hbm>>
                  %dma_start3A_285 = tpu.memref_squeeze %dma_start3A_284 : memref<1x8448xf32, #tpu.memory_space<hbm>> -> memref<8448xf32, #tpu.memory_space<hbm>>
                  %dma_start3A_286 = arith.constant 0 : i32
                  %dma_start3A_287 = tpu.memref_slice %arg5[%dma_start3A_286] : memref<16896xf32, #tpu.memory_space<vmem>> -> memref<8448xf32, #tpu.memory_space<vmem>>
                  %dma_start3A_288 = tpu.memref_slice %arg2[%add3A_18, %sub3A_267] : memref<96x130305xf32, #tpu.memory_space<hbm>> -> memref<1x8448xf32, #tpu.memory_space<hbm>>
                  %dma_start3A_289 = tpu.memref_squeeze %dma_start3A_288 : memref<1x8448xf32, #tpu.memory_space<hbm>> -> memref<8448xf32, #tpu.memory_space<hbm>>
                  tpu.enqueue_dma source(%dma_start3A_289 : memref<8448xf32, #tpu.memory_space<hbm>>) target(%dma_start3A_287 : memref<8448xf32, #tpu.memory_space<vmem>>) target_semaphore(%arg6 : memref<!tpu.dma_semaphore, #tpu.memory_space<semaphore_mem>>)
                } else {
                }
                %and3A_275 = arith.constant 1 : i32
                %and3A_276 = arith.andi %add3A_245, %and3A_275 : i32
                %eq3A_277 = arith.constant 1 : i32
                %eq3A_278 = arith.cmpi eq, %and3A_276, %eq3A_277 : i32
                %convert_element_type3A_279 = arith.extui %eq3A_278 : i1 to i32
                %cond3A_280 = arith.constant 0 : i32
                %cond3A_281 = arith.cmpi ne, %convert_element_type3A_279, %cond3A_280 : i32
                scf.if %cond3A_281 {
                  %dma_start3A_282 = arith.constant 8448 : i32
                  %dma_start3A_283 = tpu.memref_slice %arg5[%dma_start3A_282] : memref<16896xf32, #tpu.memory_space<vmem>> -> memref<8448xf32, #tpu.memory_space<vmem>>
                  %dma_start3A_284 = tpu.memref_slice %arg2[%add3A_18, %sub3A_267] : memref<96x130305xf32, #tpu.memory_space<hbm>> -> memref<1x8448xf32, #tpu.memory_space<hbm>>
                  %dma_start3A_285 = tpu.memref_squeeze %dma_start3A_284 : memref<1x8448xf32, #tpu.memory_space<hbm>> -> memref<8448xf32, #tpu.memory_space<hbm>>
                  %dma_start3A_286 = arith.constant 8448 : i32
                  %dma_start3A_287 = tpu.memref_slice %arg5[%dma_start3A_286] : memref<16896xf32, #tpu.memory_space<vmem>> -> memref<8448xf32, #tpu.memory_space<vmem>>
                  %dma_start3A_288 = tpu.memref_slice %arg2[%add3A_18, %sub3A_267] : memref<96x130305xf32, #tpu.memory_space<hbm>> -> memref<1x8448xf32, #tpu.memory_space<hbm>>
                  %dma_start3A_289 = tpu.memref_squeeze %dma_start3A_288 : memref<1x8448xf32, #tpu.memory_space<hbm>> -> memref<8448xf32, #tpu.memory_space<hbm>>
                  tpu.enqueue_dma source(%dma_start3A_289 : memref<8448xf32, #tpu.memory_space<hbm>>) target(%dma_start3A_287 : memref<8448xf32, #tpu.memory_space<vmem>>) target_semaphore(%arg7 : memref<!tpu.dma_semaphore, #tpu.memory_space<semaphore_mem>>)
                } else {
                }
              } else {
              }
              %eq3A_259 = arith.constant 15 : i32
              %eq3A_260 = arith.cmpi eq, %add3A_245, %eq3A_259 : i32
              %convert_element_type3A_261 = arith.extui %eq3A_260 : i1 to i32
              %cond3A_262 = arith.constant 0 : i32
              %cond3A_263 = arith.cmpi ne, %convert_element_type3A_261, %cond3A_262 : i32
              scf.if %cond3A_263 {
                %and3A_264 = arith.constant 1 : i32
                %and3A_265 = arith.andi %add3A_245, %and3A_264 : i32
                %eq3A_266 = arith.constant 0 : i32
                %eq3A_267 = arith.cmpi eq, %and3A_265, %eq3A_266 : i32
                %convert_element_type3A_268 = arith.extui %eq3A_267 : i1 to i32
                %cond3A_269 = arith.constant 0 : i32
                %cond3A_270 = arith.cmpi ne, %convert_element_type3A_268, %cond3A_269 : i32
                scf.if %cond3A_270 {
                  %dma_start3A_278 = arith.constant 0 : i32
                  %dma_start3A_279 = tpu.memref_slice %arg5[%dma_start3A_278] : memref<16896xf32, #tpu.memory_space<vmem>> -> memref<7552xf32, #tpu.memory_space<vmem>>
                  %dma_start3A_280 = arith.constant 122752 : i32
                  %dma_start3A_281 = tpu.memref_slice %arg2[%add3A_18, %dma_start3A_280] : memref<96x130305xf32, #tpu.memory_space<hbm>> -> memref<1x7552xf32, #tpu.memory_space<hbm>>
                  %dma_start3A_282 = tpu.memref_squeeze %dma_start3A_281 : memref<1x7552xf32, #tpu.memory_space<hbm>> -> memref<7552xf32, #tpu.memory_space<hbm>>
                  %dma_start3A_283 = arith.constant 0 : i32
                  %dma_start3A_284 = tpu.memref_slice %arg5[%dma_start3A_283] : memref<16896xf32, #tpu.memory_space<vmem>> -> memref<7552xf32, #tpu.memory_space<vmem>>
                  %dma_start3A_285 = arith.constant 122752 : i32
                  %dma_start3A_286 = tpu.memref_slice %arg2[%add3A_18, %dma_start3A_285] : memref<96x130305xf32, #tpu.memory_space<hbm>> -> memref<1x7552xf32, #tpu.memory_space<hbm>>
                  %dma_start3A_287 = tpu.memref_squeeze %dma_start3A_286 : memref<1x7552xf32, #tpu.memory_space<hbm>> -> memref<7552xf32, #tpu.memory_space<hbm>>
                  tpu.enqueue_dma source(%dma_start3A_287 : memref<7552xf32, #tpu.memory_space<hbm>>) target(%dma_start3A_284 : memref<7552xf32, #tpu.memory_space<vmem>>) target_semaphore(%arg6 : memref<!tpu.dma_semaphore, #tpu.memory_space<semaphore_mem>>)
                } else {
                }
                %and3A_271 = arith.constant 1 : i32
                %and3A_272 = arith.andi %add3A_245, %and3A_271 : i32
                %eq3A_273 = arith.constant 1 : i32
                %eq3A_274 = arith.cmpi eq, %and3A_272, %eq3A_273 : i32
                %convert_element_type3A_275 = arith.extui %eq3A_274 : i1 to i32
                %cond3A_276 = arith.constant 0 : i32
                %cond3A_277 = arith.cmpi ne, %convert_element_type3A_275, %cond3A_276 : i32
                scf.if %cond3A_277 {
                  %dma_start3A_278 = arith.constant 8448 : i32
                  %dma_start3A_279 = tpu.memref_slice %arg5[%dma_start3A_278] : memref<16896xf32, #tpu.memory_space<vmem>> -> memref<7552xf32, #tpu.memory_space<vmem>>
                  %dma_start3A_280 = arith.constant 122752 : i32
                  %dma_start3A_281 = tpu.memref_slice %arg2[%add3A_18, %dma_start3A_280] : memref<96x130305xf32, #tpu.memory_space<hbm>> -> memref<1x7552xf32, #tpu.memory_space<hbm>>
                  %dma_start3A_282 = tpu.memref_squeeze %dma_start3A_281 : memref<1x7552xf32, #tpu.memory_space<hbm>> -> memref<7552xf32, #tpu.memory_space<hbm>>
                  %dma_start3A_283 = arith.constant 8448 : i32
                  %dma_start3A_284 = tpu.memref_slice %arg5[%dma_start3A_283] : memref<16896xf32, #tpu.memory_space<vmem>> -> memref<7552xf32, #tpu.memory_space<vmem>>
                  %dma_start3A_285 = arith.constant 122752 : i32
                  %dma_start3A_286 = tpu.memref_slice %arg2[%add3A_18, %dma_start3A_285] : memref<96x130305xf32, #tpu.memory_space<hbm>> -> memref<1x7552xf32, #tpu.memory_space<hbm>>
                  %dma_start3A_287 = tpu.memref_squeeze %dma_start3A_286 : memref<1x7552xf32, #tpu.memory_space<hbm>> -> memref<7552xf32, #tpu.memory_space<hbm>>
                  tpu.enqueue_dma source(%dma_start3A_287 : memref<7552xf32, #tpu.memory_space<hbm>>) target(%dma_start3A_284 : memref<7552xf32, #tpu.memory_space<vmem>>) target_semaphore(%arg7 : memref<!tpu.dma_semaphore, #tpu.memory_space<semaphore_mem>>)
                } else {
                }
              } else {
              }
            } else {
            }
          } else {
          }
          %eq3A_207 = arith.constant 0 : i32
          %eq3A_208 = arith.cmpi eq, %select_n3A_203, %eq3A_207 : i32
          %mul3A_209 = arith.constant 8192 : i32
          %mul3A_210 = arith.muli %select_n3A_203, %mul3A_209 : i32
          %sub3A_211 = arith.constant 128 : i32
          %sub3A_212 = arith.subi %mul3A_210, %sub3A_211 : i32
          %jit3A_213 = arith.constant 0 : i32
          %select_n3A_214 = arith.select %eq3A_208, %jit3A_213, %sub3A_212 : i32
          %and3A_215 = arith.constant 1 : i32
          %and3A_216 = arith.andi %select_n3A_203, %and3A_215 : i32
          %mul3A_217 = arith.constant 8448 : i32
          %mul3A_218 = arith.muli %and3A_216, %mul3A_217 : i32
          %sub3A_219 = arith.subi %while3A_194, %select_n3A_214 : i32
          %add3A_220 = arith.addi %mul3A_218, %sub3A_219 : i32
          %add3A_221 = vector.broadcast %add3A_220 : i32 to vector<16xi32>
          %add3A_222 = arith.addi %add3A_221, %iota3A : vector<16xi32>
          %gather3A_223 = tpu.vector_load_idx %arg5[%add3A_222] : memref<16896xf32, #tpu.memory_space<vmem>>[vector<16xi32>], vector<16xf32>,
          tpu.vector_store_idx %arg4[%while3A_192], %gather3A_223 : memref<65152xf32, #tpu.memory_space<vmem>>[vector<16xi32>], vector<16xf32>,
          %add3A_224 = arith.addi %while3A_192, %while3A_193 : vector<16xi32>
          %sub3A_225 = arith.constant 256 : i32
          %sub3A_226 = vector.broadcast %sub3A_225 : i32 to vector<16xi32>
          %sub3A_227 = arith.subi %while3A_193, %sub3A_226 : vector<16xi32>
          %add3A_228 = arith.constant 16 : i32
          %add3A_229 = arith.addi %while3A_194, %add3A_228 : i32
          scf.yield %add3A_224, %sub3A_227, %add3A_229, %select_n3A_203 : vector<16xi32>, vector<16xi32>, i32, i32
        }
        %add3A_130 = arith.addi %sub3A_88, %sub3A : i32
        %sub3A_131 = arith.constant 16 : i32
        %sub3A_132 = arith.subi %add3A_130, %sub3A_131 : i32
        %mul3A_133 = arith.constant 8192 : i32
        %mul3A_134 = arith.muli %while3A_129#3, %mul3A_133 : i32
        %add3A_135 = arith.constant 8304 : i32
        %add3A_136 = arith.addi %mul3A_134, %add3A_135 : i32
        %gt3A = arith.cmpi sgt, %sub3A_132, %add3A_136 : i32
        %add3A_137 = arith.constant 1 : i32
        %add3A_138 = arith.addi %while3A_129#3, %add3A_137 : i32
        %select_n3A_139 = arith.select %gt3A, %add3A_138, %while3A_129#3 : i32
        %convert_element_type3A_140 = arith.extui %gt3A : i1 to i32
        %cond3A_141 = arith.constant 0 : i32
        %cond3A_142 = arith.cmpi ne, %convert_element_type3A_140, %cond3A_141 : i32
        scf.if %cond3A_142 {
          %le3A = arith.constant 14 : i32
          %le3A_191 = arith.cmpi sle, %select_n3A_139, %le3A : i32
          %convert_element_type3A_192 = arith.extui %le3A_191 : i1 to i32
          %cond3A_193 = arith.constant 0 : i32
          %cond3A_194 = arith.cmpi ne, %convert_element_type3A_192, %cond3A_193 : i32
          scf.if %cond3A_194 {
            %and3A_205 = arith.constant 1 : i32
            %and3A_206 = arith.andi %select_n3A_139, %and3A_205 : i32
            %eq3A_207 = arith.constant 0 : i32
            %eq3A_208 = arith.cmpi eq, %and3A_206, %eq3A_207 : i32
            %convert_element_type3A_209 = arith.extui %eq3A_208 : i1 to i32
            %cond3A_210 = arith.constant 0 : i32
            %cond3A_211 = arith.cmpi ne, %convert_element_type3A_209, %cond3A_210 : i32
            scf.if %cond3A_211 {
              %dma_wait3A_219 = arith.constant 0 : i32
              %dma_wait3A_220 = tpu.memref_slice %arg5[%dma_wait3A_219] : memref<16896xf32, #tpu.memory_space<vmem>> -> memref<8448xf32, #tpu.memory_space<vmem>>
              %dma_wait3A_221 = arith.constant 0 : i32
              %dma_wait3A_222 = tpu.memref_slice %arg2[%add3A_18, %dma_wait3A_221] : memref<96x130305xf32, #tpu.memory_space<hbm>> -> memref<1x8448xf32, #tpu.memory_space<hbm>>
              %dma_wait3A_223 = tpu.memref_squeeze %dma_wait3A_222 : memref<1x8448xf32, #tpu.memory_space<hbm>> -> memref<8448xf32, #tpu.memory_space<hbm>>
              %dma_wait3A_224 = arith.constant 0 : i32
              %dma_wait3A_225 = tpu.memref_slice %arg5[%dma_wait3A_224] : memref<16896xf32, #tpu.memory_space<vmem>> -> memref<8448xf32, #tpu.memory_space<vmem>>
              %dma_wait3A_226 = arith.constant 0 : i32
              %dma_wait3A_227 = tpu.memref_slice %arg2[%add3A_18, %dma_wait3A_226] : memref<96x130305xf32, #tpu.memory_space<hbm>> -> memref<1x8448xf32, #tpu.memory_space<hbm>>
              %dma_wait3A_228 = tpu.memref_squeeze %dma_wait3A_227 : memref<1x8448xf32, #tpu.memory_space<hbm>> -> memref<8448xf32, #tpu.memory_space<hbm>>
              tpu.wait_dma2 semaphore(%arg6 : memref<!tpu.dma_semaphore, #tpu.memory_space<semaphore_mem>>) src(%dma_wait3A_228 : memref<8448xf32, #tpu.memory_space<hbm>>) dst(%dma_wait3A_225 : memref<8448xf32, #tpu.memory_space<vmem>>)
            } else {
            }
            %and3A_212 = arith.constant 1 : i32
            %and3A_213 = arith.andi %select_n3A_139, %and3A_212 : i32
            %eq3A_214 = arith.constant 1 : i32
            %eq3A_215 = arith.cmpi eq, %and3A_213, %eq3A_214 : i32
            %convert_element_type3A_216 = arith.extui %eq3A_215 : i1 to i32
            %cond3A_217 = arith.constant 0 : i32
            %cond3A_218 = arith.cmpi ne, %convert_element_type3A_216, %cond3A_217 : i32
            scf.if %cond3A_218 {
              %dma_wait3A_219 = arith.constant 8448 : i32
              %dma_wait3A_220 = tpu.memref_slice %arg5[%dma_wait3A_219] : memref<16896xf32, #tpu.memory_space<vmem>> -> memref<8448xf32, #tpu.memory_space<vmem>>
              %dma_wait3A_221 = arith.constant 0 : i32
              %dma_wait3A_222 = tpu.memref_slice %arg2[%add3A_18, %dma_wait3A_221] : memref<96x130305xf32, #tpu.memory_space<hbm>> -> memref<1x8448xf32, #tpu.memory_space<hbm>>
              %dma_wait3A_223 = tpu.memref_squeeze %dma_wait3A_222 : memref<1x8448xf32, #tpu.memory_space<hbm>> -> memref<8448xf32, #tpu.memory_space<hbm>>
              %dma_wait3A_224 = arith.constant 8448 : i32
              %dma_wait3A_225 = tpu.memref_slice %arg5[%dma_wait3A_224] : memref<16896xf32, #tpu.memory_space<vmem>> -> memref<8448xf32, #tpu.memory_space<vmem>>
              %dma_wait3A_226 = arith.constant 0 : i32
              %dma_wait3A_227 = tpu.memref_slice %arg2[%add3A_18, %dma_wait3A_226] : memref<96x130305xf32, #tpu.memory_space<hbm>> -> memref<1x8448xf32, #tpu.memory_space<hbm>>
              %dma_wait3A_228 = tpu.memref_squeeze %dma_wait3A_227 : memref<1x8448xf32, #tpu.memory_space<hbm>> -> memref<8448xf32, #tpu.memory_space<hbm>>
              tpu.wait_dma2 semaphore(%arg7 : memref<!tpu.dma_semaphore, #tpu.memory_space<semaphore_mem>>) src(%dma_wait3A_228 : memref<8448xf32, #tpu.memory_space<hbm>>) dst(%dma_wait3A_225 : memref<8448xf32, #tpu.memory_space<vmem>>)
            } else {
            }
          } else {
          }
          %eq3A_195 = arith.constant 15 : i32
          %eq3A_196 = arith.cmpi eq, %select_n3A_139, %eq3A_195 : i32
          %convert_element_type3A_197 = arith.extui %eq3A_196 : i1 to i32
          %cond3A_198 = arith.constant 0 : i32
          %cond3A_199 = arith.cmpi ne, %convert_element_type3A_197, %cond3A_198 : i32
          scf.if %cond3A_199 {
            %and3A_205 = arith.constant 1 : i32
            %and3A_206 = arith.andi %select_n3A_139, %and3A_205 : i32
            %eq3A_207 = arith.constant 0 : i32
            %eq3A_208 = arith.cmpi eq, %and3A_206, %eq3A_207 : i32
            %convert_element_type3A_209 = arith.extui %eq3A_208 : i1 to i32
            %cond3A_210 = arith.constant 0 : i32
            %cond3A_211 = arith.cmpi ne, %convert_element_type3A_209, %cond3A_210 : i32
            scf.if %cond3A_211 {
              %dma_wait3A_219 = arith.constant 0 : i32
              %dma_wait3A_220 = tpu.memref_slice %arg5[%dma_wait3A_219] : memref<16896xf32, #tpu.memory_space<vmem>> -> memref<7552xf32, #tpu.memory_space<vmem>>
              %dma_wait3A_221 = arith.constant 0 : i32
              %dma_wait3A_222 = tpu.memref_slice %arg2[%add3A_18, %dma_wait3A_221] : memref<96x130305xf32, #tpu.memory_space<hbm>> -> memref<1x7552xf32, #tpu.memory_space<hbm>>
              %dma_wait3A_223 = tpu.memref_squeeze %dma_wait3A_222 : memref<1x7552xf32, #tpu.memory_space<hbm>> -> memref<7552xf32, #tpu.memory_space<hbm>>
              %dma_wait3A_224 = arith.constant 0 : i32
              %dma_wait3A_225 = tpu.memref_slice %arg5[%dma_wait3A_224] : memref<16896xf32, #tpu.memory_space<vmem>> -> memref<7552xf32, #tpu.memory_space<vmem>>
              %dma_wait3A_226 = arith.constant 0 : i32
              %dma_wait3A_227 = tpu.memref_slice %arg2[%add3A_18, %dma_wait3A_226] : memref<96x130305xf32, #tpu.memory_space<hbm>> -> memref<1x7552xf32, #tpu.memory_space<hbm>>
              %dma_wait3A_228 = tpu.memref_squeeze %dma_wait3A_227 : memref<1x7552xf32, #tpu.memory_space<hbm>> -> memref<7552xf32, #tpu.memory_space<hbm>>
              tpu.wait_dma2 semaphore(%arg6 : memref<!tpu.dma_semaphore, #tpu.memory_space<semaphore_mem>>) src(%dma_wait3A_228 : memref<7552xf32, #tpu.memory_space<hbm>>) dst(%dma_wait3A_225 : memref<7552xf32, #tpu.memory_space<vmem>>)
            } else {
            }
            %and3A_212 = arith.constant 1 : i32
            %and3A_213 = arith.andi %select_n3A_139, %and3A_212 : i32
            %eq3A_214 = arith.constant 1 : i32
            %eq3A_215 = arith.cmpi eq, %and3A_213, %eq3A_214 : i32
            %convert_element_type3A_216 = arith.extui %eq3A_215 : i1 to i32
            %cond3A_217 = arith.constant 0 : i32
            %cond3A_218 = arith.cmpi ne, %convert_element_type3A_216, %cond3A_217 : i32
            scf.if %cond3A_218 {
              %dma_wait3A_219 = arith.constant 8448 : i32
              %dma_wait3A_220 = tpu.memref_slice %arg5[%dma_wait3A_219] : memref<16896xf32, #tpu.memory_space<vmem>> -> memref<7552xf32, #tpu.memory_space<vmem>>
              %dma_wait3A_221 = arith.constant 0 : i32
              %dma_wait3A_222 = tpu.memref_slice %arg2[%add3A_18, %dma_wait3A_221] : memref<96x130305xf32, #tpu.memory_space<hbm>> -> memref<1x7552xf32, #tpu.memory_space<hbm>>
              %dma_wait3A_223 = tpu.memref_squeeze %dma_wait3A_222 : memref<1x7552xf32, #tpu.memory_space<hbm>> -> memref<7552xf32, #tpu.memory_space<hbm>>
              %dma_wait3A_224 = arith.constant 8448 : i32
              %dma_wait3A_225 = tpu.memref_slice %arg5[%dma_wait3A_224] : memref<16896xf32, #tpu.memory_space<vmem>> -> memref<7552xf32, #tpu.memory_space<vmem>>
              %dma_wait3A_226 = arith.constant 0 : i32
              %dma_wait3A_227 = tpu.memref_slice %arg2[%add3A_18, %dma_wait3A_226] : memref<96x130305xf32, #tpu.memory_space<hbm>> -> memref<1x7552xf32, #tpu.memory_space<hbm>>
              %dma_wait3A_228 = tpu.memref_squeeze %dma_wait3A_227 : memref<1x7552xf32, #tpu.memory_space<hbm>> -> memref<7552xf32, #tpu.memory_space<hbm>>
              tpu.wait_dma2 semaphore(%arg7 : memref<!tpu.dma_semaphore, #tpu.memory_space<semaphore_mem>>) src(%dma_wait3A_228 : memref<7552xf32, #tpu.memory_space<hbm>>) dst(%dma_wait3A_225 : memref<7552xf32, #tpu.memory_space<vmem>>)
            } else {
            }
          } else {
          }
          %le3A_200 = arith.constant 14 : i32
          %le3A_201 = arith.cmpi sle, %select_n3A_139, %le3A_200 : i32
          %convert_element_type3A_202 = arith.extui %le3A_201 : i1 to i32
          %cond3A_203 = arith.constant 0 : i32
          %cond3A_204 = arith.cmpi ne, %convert_element_type3A_202, %cond3A_203 : i32
          scf.if %cond3A_204 {
            %add3A_205 = arith.constant 1 : i32
            %add3A_206 = arith.addi %select_n3A_139, %add3A_205 : i32
            %eq3A_207 = arith.constant 0 : i32
            %eq3A_208 = arith.cmpi eq, %add3A_206, %eq3A_207 : i32
            %convert_element_type3A_209 = arith.extui %eq3A_208 : i1 to i32
            %cond3A_210 = arith.constant 0 : i32
            %cond3A_211 = arith.cmpi ne, %convert_element_type3A_209, %cond3A_210 : i32
            scf.if %cond3A_211 {
              %and3A_225 = arith.constant 1 : i32
              %and3A_226 = arith.andi %add3A_206, %and3A_225 : i32
              %eq3A_227 = arith.constant 0 : i32
              %eq3A_228 = arith.cmpi eq, %and3A_226, %eq3A_227 : i32
              %convert_element_type3A_229 = arith.extui %eq3A_228 : i1 to i32
              %cond3A_230 = arith.constant 0 : i32
              %cond3A_231 = arith.cmpi ne, %convert_element_type3A_229, %cond3A_230 : i32
              scf.if %cond3A_231 {
                %dma_start3A_239 = arith.constant 0 : i32
                %dma_start3A_240 = tpu.memref_slice %arg5[%dma_start3A_239] : memref<16896xf32, #tpu.memory_space<vmem>> -> memref<8448xf32, #tpu.memory_space<vmem>>
                %dma_start3A_241 = arith.constant 0 : i32
                %dma_start3A_242 = tpu.memref_slice %arg2[%add3A_18, %dma_start3A_241] : memref<96x130305xf32, #tpu.memory_space<hbm>> -> memref<1x8448xf32, #tpu.memory_space<hbm>>
                %dma_start3A_243 = tpu.memref_squeeze %dma_start3A_242 : memref<1x8448xf32, #tpu.memory_space<hbm>> -> memref<8448xf32, #tpu.memory_space<hbm>>
                %dma_start3A_244 = arith.constant 0 : i32
                %dma_start3A_245 = tpu.memref_slice %arg5[%dma_start3A_244] : memref<16896xf32, #tpu.memory_space<vmem>> -> memref<8448xf32, #tpu.memory_space<vmem>>
                %dma_start3A_246 = arith.constant 0 : i32
                %dma_start3A_247 = tpu.memref_slice %arg2[%add3A_18, %dma_start3A_246] : memref<96x130305xf32, #tpu.memory_space<hbm>> -> memref<1x8448xf32, #tpu.memory_space<hbm>>
                %dma_start3A_248 = tpu.memref_squeeze %dma_start3A_247 : memref<1x8448xf32, #tpu.memory_space<hbm>> -> memref<8448xf32, #tpu.memory_space<hbm>>
                tpu.enqueue_dma source(%dma_start3A_248 : memref<8448xf32, #tpu.memory_space<hbm>>) target(%dma_start3A_245 : memref<8448xf32, #tpu.memory_space<vmem>>) target_semaphore(%arg6 : memref<!tpu.dma_semaphore, #tpu.memory_space<semaphore_mem>>)
              } else {
              }
              %and3A_232 = arith.constant 1 : i32
              %and3A_233 = arith.andi %add3A_206, %and3A_232 : i32
              %eq3A_234 = arith.constant 1 : i32
              %eq3A_235 = arith.cmpi eq, %and3A_233, %eq3A_234 : i32
              %convert_element_type3A_236 = arith.extui %eq3A_235 : i1 to i32
              %cond3A_237 = arith.constant 0 : i32
              %cond3A_238 = arith.cmpi ne, %convert_element_type3A_236, %cond3A_237 : i32
              scf.if %cond3A_238 {
                %dma_start3A_239 = arith.constant 8448 : i32
                %dma_start3A_240 = tpu.memref_slice %arg5[%dma_start3A_239] : memref<16896xf32, #tpu.memory_space<vmem>> -> memref<8448xf32, #tpu.memory_space<vmem>>
                %dma_start3A_241 = arith.constant 0 : i32
                %dma_start3A_242 = tpu.memref_slice %arg2[%add3A_18, %dma_start3A_241] : memref<96x130305xf32, #tpu.memory_space<hbm>> -> memref<1x8448xf32, #tpu.memory_space<hbm>>
                %dma_start3A_243 = tpu.memref_squeeze %dma_start3A_242 : memref<1x8448xf32, #tpu.memory_space<hbm>> -> memref<8448xf32, #tpu.memory_space<hbm>>
                %dma_start3A_244 = arith.constant 8448 : i32
                %dma_start3A_245 = tpu.memref_slice %arg5[%dma_start3A_244] : memref<16896xf32, #tpu.memory_space<vmem>> -> memref<8448xf32, #tpu.memory_space<vmem>>
                %dma_start3A_246 = arith.constant 0 : i32
                %dma_start3A_247 = tpu.memref_slice %arg2[%add3A_18, %dma_start3A_246] : memref<96x130305xf32, #tpu.memory_space<hbm>> -> memref<1x8448xf32, #tpu.memory_space<hbm>>
                %dma_start3A_248 = tpu.memref_squeeze %dma_start3A_247 : memref<1x8448xf32, #tpu.memory_space<hbm>> -> memref<8448xf32, #tpu.memory_space<hbm>>
                tpu.enqueue_dma source(%dma_start3A_248 : memref<8448xf32, #tpu.memory_space<hbm>>) target(%dma_start3A_245 : memref<8448xf32, #tpu.memory_space<vmem>>) target_semaphore(%arg7 : memref<!tpu.dma_semaphore, #tpu.memory_space<semaphore_mem>>)
              } else {
              }
            } else {
            }
            %ge3A_212 = arith.constant 1 : i32
            %ge3A_213 = arith.cmpi sge, %add3A_206, %ge3A_212 : i32
            %le3A_214 = arith.constant 14 : i32
            %le3A_215 = arith.cmpi sle, %add3A_206, %le3A_214 : i32
            %and3A_216 = arith.andi %ge3A_213, %le3A_215 : i1
            %convert_element_type3A_217 = arith.extui %and3A_216 : i1 to i32
            %cond3A_218 = arith.constant 0 : i32
            %cond3A_219 = arith.cmpi ne, %convert_element_type3A_217, %cond3A_218 : i32
            scf.if %cond3A_219 {
              %mul3A_225 = arith.constant 8192 : i32
              %mul3A_226 = arith.muli %add3A_206, %mul3A_225 : i32
              %sub3A_227 = arith.constant 128 : i32
              %sub3A_228 = arith.subi %mul3A_226, %sub3A_227 : i32
              %and3A_229 = arith.constant 1 : i32
              %and3A_230 = arith.andi %add3A_206, %and3A_229 : i32
              %eq3A_231 = arith.constant 0 : i32
              %eq3A_232 = arith.cmpi eq, %and3A_230, %eq3A_231 : i32
              %convert_element_type3A_233 = arith.extui %eq3A_232 : i1 to i32
              %cond3A_234 = arith.constant 0 : i32
              %cond3A_235 = arith.cmpi ne, %convert_element_type3A_233, %cond3A_234 : i32
              scf.if %cond3A_235 {
                %dma_start3A_243 = arith.constant 0 : i32
                %dma_start3A_244 = tpu.memref_slice %arg5[%dma_start3A_243] : memref<16896xf32, #tpu.memory_space<vmem>> -> memref<8448xf32, #tpu.memory_space<vmem>>
                %dma_start3A_245 = tpu.memref_slice %arg2[%add3A_18, %sub3A_228] : memref<96x130305xf32, #tpu.memory_space<hbm>> -> memref<1x8448xf32, #tpu.memory_space<hbm>>
                %dma_start3A_246 = tpu.memref_squeeze %dma_start3A_245 : memref<1x8448xf32, #tpu.memory_space<hbm>> -> memref<8448xf32, #tpu.memory_space<hbm>>
                %dma_start3A_247 = arith.constant 0 : i32
                %dma_start3A_248 = tpu.memref_slice %arg5[%dma_start3A_247] : memref<16896xf32, #tpu.memory_space<vmem>> -> memref<8448xf32, #tpu.memory_space<vmem>>
                %dma_start3A_249 = tpu.memref_slice %arg2[%add3A_18, %sub3A_228] : memref<96x130305xf32, #tpu.memory_space<hbm>> -> memref<1x8448xf32, #tpu.memory_space<hbm>>
                %dma_start3A_250 = tpu.memref_squeeze %dma_start3A_249 : memref<1x8448xf32, #tpu.memory_space<hbm>> -> memref<8448xf32, #tpu.memory_space<hbm>>
                tpu.enqueue_dma source(%dma_start3A_250 : memref<8448xf32, #tpu.memory_space<hbm>>) target(%dma_start3A_248 : memref<8448xf32, #tpu.memory_space<vmem>>) target_semaphore(%arg6 : memref<!tpu.dma_semaphore, #tpu.memory_space<semaphore_mem>>)
              } else {
              }
              %and3A_236 = arith.constant 1 : i32
              %and3A_237 = arith.andi %add3A_206, %and3A_236 : i32
              %eq3A_238 = arith.constant 1 : i32
              %eq3A_239 = arith.cmpi eq, %and3A_237, %eq3A_238 : i32
              %convert_element_type3A_240 = arith.extui %eq3A_239 : i1 to i32
              %cond3A_241 = arith.constant 0 : i32
              %cond3A_242 = arith.cmpi ne, %convert_element_type3A_240, %cond3A_241 : i32
              scf.if %cond3A_242 {
                %dma_start3A_243 = arith.constant 8448 : i32
                %dma_start3A_244 = tpu.memref_slice %arg5[%dma_start3A_243] : memref<16896xf32, #tpu.memory_space<vmem>> -> memref<8448xf32, #tpu.memory_space<vmem>>
                %dma_start3A_245 = tpu.memref_slice %arg2[%add3A_18, %sub3A_228] : memref<96x130305xf32, #tpu.memory_space<hbm>> -> memref<1x8448xf32, #tpu.memory_space<hbm>>
                %dma_start3A_246 = tpu.memref_squeeze %dma_start3A_245 : memref<1x8448xf32, #tpu.memory_space<hbm>> -> memref<8448xf32, #tpu.memory_space<hbm>>
                %dma_start3A_247 = arith.constant 8448 : i32
                %dma_start3A_248 = tpu.memref_slice %arg5[%dma_start3A_247] : memref<16896xf32, #tpu.memory_space<vmem>> -> memref<8448xf32, #tpu.memory_space<vmem>>
                %dma_start3A_249 = tpu.memref_slice %arg2[%add3A_18, %sub3A_228] : memref<96x130305xf32, #tpu.memory_space<hbm>> -> memref<1x8448xf32, #tpu.memory_space<hbm>>
                %dma_start3A_250 = tpu.memref_squeeze %dma_start3A_249 : memref<1x8448xf32, #tpu.memory_space<hbm>> -> memref<8448xf32, #tpu.memory_space<hbm>>
                tpu.enqueue_dma source(%dma_start3A_250 : memref<8448xf32, #tpu.memory_space<hbm>>) target(%dma_start3A_248 : memref<8448xf32, #tpu.memory_space<vmem>>) target_semaphore(%arg7 : memref<!tpu.dma_semaphore, #tpu.memory_space<semaphore_mem>>)
              } else {
              }
            } else {
            }
            %eq3A_220 = arith.constant 15 : i32
            %eq3A_221 = arith.cmpi eq, %add3A_206, %eq3A_220 : i32
            %convert_element_type3A_222 = arith.extui %eq3A_221 : i1 to i32
            %cond3A_223 = arith.constant 0 : i32
            %cond3A_224 = arith.cmpi ne, %convert_element_type3A_222, %cond3A_223 : i32
            scf.if %cond3A_224 {
              %and3A_225 = arith.constant 1 : i32
              %and3A_226 = arith.andi %add3A_206, %and3A_225 : i32
              %eq3A_227 = arith.constant 0 : i32
              %eq3A_228 = arith.cmpi eq, %and3A_226, %eq3A_227 : i32
              %convert_element_type3A_229 = arith.extui %eq3A_228 : i1 to i32
              %cond3A_230 = arith.constant 0 : i32
              %cond3A_231 = arith.cmpi ne, %convert_element_type3A_229, %cond3A_230 : i32
              scf.if %cond3A_231 {
                %dma_start3A_239 = arith.constant 0 : i32
                %dma_start3A_240 = tpu.memref_slice %arg5[%dma_start3A_239] : memref<16896xf32, #tpu.memory_space<vmem>> -> memref<7552xf32, #tpu.memory_space<vmem>>
                %dma_start3A_241 = arith.constant 122752 : i32
                %dma_start3A_242 = tpu.memref_slice %arg2[%add3A_18, %dma_start3A_241] : memref<96x130305xf32, #tpu.memory_space<hbm>> -> memref<1x7552xf32, #tpu.memory_space<hbm>>
                %dma_start3A_243 = tpu.memref_squeeze %dma_start3A_242 : memref<1x7552xf32, #tpu.memory_space<hbm>> -> memref<7552xf32, #tpu.memory_space<hbm>>
                %dma_start3A_244 = arith.constant 0 : i32
                %dma_start3A_245 = tpu.memref_slice %arg5[%dma_start3A_244] : memref<16896xf32, #tpu.memory_space<vmem>> -> memref<7552xf32, #tpu.memory_space<vmem>>
                %dma_start3A_246 = arith.constant 122752 : i32
                %dma_start3A_247 = tpu.memref_slice %arg2[%add3A_18, %dma_start3A_246] : memref<96x130305xf32, #tpu.memory_space<hbm>> -> memref<1x7552xf32, #tpu.memory_space<hbm>>
                %dma_start3A_248 = tpu.memref_squeeze %dma_start3A_247 : memref<1x7552xf32, #tpu.memory_space<hbm>> -> memref<7552xf32, #tpu.memory_space<hbm>>
                tpu.enqueue_dma source(%dma_start3A_248 : memref<7552xf32, #tpu.memory_space<hbm>>) target(%dma_start3A_245 : memref<7552xf32, #tpu.memory_space<vmem>>) target_semaphore(%arg6 : memref<!tpu.dma_semaphore, #tpu.memory_space<semaphore_mem>>)
              } else {
              }
              %and3A_232 = arith.constant 1 : i32
              %and3A_233 = arith.andi %add3A_206, %and3A_232 : i32
              %eq3A_234 = arith.constant 1 : i32
              %eq3A_235 = arith.cmpi eq, %and3A_233, %eq3A_234 : i32
              %convert_element_type3A_236 = arith.extui %eq3A_235 : i1 to i32
              %cond3A_237 = arith.constant 0 : i32
              %cond3A_238 = arith.cmpi ne, %convert_element_type3A_236, %cond3A_237 : i32
              scf.if %cond3A_238 {
                %dma_start3A_239 = arith.constant 8448 : i32
                %dma_start3A_240 = tpu.memref_slice %arg5[%dma_start3A_239] : memref<16896xf32, #tpu.memory_space<vmem>> -> memref<7552xf32, #tpu.memory_space<vmem>>
                %dma_start3A_241 = arith.constant 122752 : i32
                %dma_start3A_242 = tpu.memref_slice %arg2[%add3A_18, %dma_start3A_241] : memref<96x130305xf32, #tpu.memory_space<hbm>> -> memref<1x7552xf32, #tpu.memory_space<hbm>>
                %dma_start3A_243 = tpu.memref_squeeze %dma_start3A_242 : memref<1x7552xf32, #tpu.memory_space<hbm>> -> memref<7552xf32, #tpu.memory_space<hbm>>
                %dma_start3A_244 = arith.constant 8448 : i32
                %dma_start3A_245 = tpu.memref_slice %arg5[%dma_start3A_244] : memref<16896xf32, #tpu.memory_space<vmem>> -> memref<7552xf32, #tpu.memory_space<vmem>>
                %dma_start3A_246 = arith.constant 122752 : i32
                %dma_start3A_247 = tpu.memref_slice %arg2[%add3A_18, %dma_start3A_246] : memref<96x130305xf32, #tpu.memory_space<hbm>> -> memref<1x7552xf32, #tpu.memory_space<hbm>>
                %dma_start3A_248 = tpu.memref_squeeze %dma_start3A_247 : memref<1x7552xf32, #tpu.memory_space<hbm>> -> memref<7552xf32, #tpu.memory_space<hbm>>
                tpu.enqueue_dma source(%dma_start3A_248 : memref<7552xf32, #tpu.memory_space<hbm>>) target(%dma_start3A_245 : memref<7552xf32, #tpu.memory_space<vmem>>) target_semaphore(%arg7 : memref<!tpu.dma_semaphore, #tpu.memory_space<semaphore_mem>>)
              } else {
              }
            } else {
            }
          } else {
          }
        } else {
        }
        %sub3A_143 = arith.constant 16 : i32
        %sub3A_144 = arith.subi %select_n3A_84, %sub3A_143 : i32
        %add3A_145 = vector.broadcast %sub3A_144 : i32 to vector<16xi32>
        %add3A_146 = arith.addi %add3A_145, %iota3A : vector<16xi32>
        %sub3A_147 = arith.constant 511 : i32
        %sub3A_148 = vector.broadcast %sub3A_147 : i32 to vector<16xi32>
        %sub3A_149 = arith.subi %sub3A_148, %add3A_146 : vector<16xi32>
        %add3A_150 = arith.constant 510 : i32
        %add3A_151 = vector.broadcast %add3A_150 : i32 to vector<16xi32>
        %add3A_152 = arith.addi %add3A_151, %add3A_146 : vector<16xi32>
        %mul3A_153 = arith.muli %sub3A_149, %add3A_152 : vector<16xi32>
        %shift_right_arithmetic3A_154 = arith.constant 1 : i32
        %shift_right_arithmetic3A_155 = vector.broadcast %shift_right_arithmetic3A_154 : i32 to vector<16xi32>
        %shift_right_arithmetic3A_156 = arith.shrsi %mul3A_153, %shift_right_arithmetic3A_155 : vector<16xi32>
        %add3A_157 = arith.addi %shift_right_arithmetic3A_156, %add3A_146 : vector<16xi32>
        %sub3A_158 = arith.constant 2 : i32
        %sub3A_159 = vector.broadcast %sub3A_158 : i32 to vector<16xi32>
        %sub3A_160 = arith.subi %add3A_157, %sub3A_159 : vector<16xi32>
        %sub3A_161 = vector.broadcast %scan3A_71 : i32 to vector<16xi32>
        %sub3A_162 = arith.subi %sub3A_160, %sub3A_161 : vector<16xi32>
        %sub3A_163 = vector.broadcast %mul3A_21 : i32 to vector<16xi32>
        %sub3A_164 = arith.subi %sub3A_162, %sub3A_163 : vector<16xi32>
        %eq3A_165 = arith.constant 0 : i32
        %eq3A_166 = arith.cmpi eq, %select_n3A_139, %eq3A_165 : i32
        %mul3A_167 = arith.constant 8192 : i32
        %mul3A_168 = arith.muli %select_n3A_139, %mul3A_167 : i32
        %sub3A_169 = arith.constant 128 : i32
        %sub3A_170 = arith.subi %mul3A_168, %sub3A_169 : i32
        %jit3A_171 = arith.constant 0 : i32
        %select_n3A_172 = arith.select %eq3A_166, %jit3A_171, %sub3A_170 : i32
        %and3A_173 = arith.constant 1 : i32
        %and3A_174 = arith.andi %select_n3A_139, %and3A_173 : i32
        %mul3A_175 = arith.constant 8448 : i32
        %mul3A_176 = arith.muli %and3A_174, %mul3A_175 : i32
        %sub3A_177 = arith.subi %sub3A_132, %select_n3A_172 : i32
        %jit3A_178 = arith.constant 0 : i32
        %jit3A_179 = arith.constant 8432 : i32
        %max3A_180 = arith.maxsi %jit3A_178, %sub3A_177 : i32
        %min3A = arith.minsi %jit3A_179, %max3A_180 : i32
        %add3A_181 = arith.addi %mul3A_176, %min3A : i32
        %add3A_182 = vector.broadcast %add3A_181 : i32 to vector<16xi32>
        %add3A_183 = arith.addi %add3A_182, %iota3A : vector<16xi32>
        %gather3A = tpu.vector_load_idx %arg5[%add3A_183] : memref<16896xf32, #tpu.memory_space<vmem>>[vector<16xi32>], vector<16xf32>,
        %sub3A_184 = arith.constant 16 : i32
        %sub3A_185 = arith.subi %sub3A_184, %sub3A : i32
        %ge3A_186 = vector.broadcast %sub3A_185 : i32 to vector<16xi32>
        %ge3A_187 = arith.cmpi sge, %iota3A, %ge3A_186 : vector<16xi32>
        tpu.vector_store_idx %arg4[%sub3A_164], %gather3A masked %ge3A_187 : memref<65152xf32, #tpu.memory_space<vmem>>[vector<16xi32>], vector<16xf32>, vector<16xi1>
        %add3A_188 = arith.constant 510 : i32
        %add3A_189 = arith.addi %scan3A_73, %add3A_188 : i32
        %sub3A_190 = arith.subi %add3A_189, %scan3A_71 : i32
        scf.yield %while3A, %sub3A_190, %select_n3A_139 : i32, i32, i32
      }
      %scan3A_61 = arith.constant 510 : i32
      %lt3A = arith.constant 15 : i32
      %lt3A_62 = arith.cmpi slt, %scan3A_60#2, %lt3A : i32
      %convert_element_type3A_63 = arith.extui %lt3A_62 : i1 to i32
      %cond3A_64 = arith.constant 0 : i32
      %cond3A_65 = arith.cmpi ne, %convert_element_type3A_63, %cond3A_64 : i32
      scf.if %cond3A_65 {
        %add3A_71 = arith.constant 1 : i32
        %add3A_72 = arith.addi %scan3A_60#2, %add3A_71 : i32
        %le3A = arith.constant 14 : i32
        %le3A_73 = arith.cmpi sle, %add3A_72, %le3A : i32
        %convert_element_type3A_74 = arith.extui %le3A_73 : i1 to i32
        %cond3A_75 = arith.constant 0 : i32
        %cond3A_76 = arith.cmpi ne, %convert_element_type3A_74, %cond3A_75 : i32
        scf.if %cond3A_76 {
          %and3A_81 = arith.constant 1 : i32
          %and3A_82 = arith.andi %add3A_72, %and3A_81 : i32
          %eq3A_83 = arith.constant 0 : i32
          %eq3A_84 = arith.cmpi eq, %and3A_82, %eq3A_83 : i32
          %convert_element_type3A_85 = arith.extui %eq3A_84 : i1 to i32
          %cond3A_86 = arith.constant 0 : i32
          %cond3A_87 = arith.cmpi ne, %convert_element_type3A_85, %cond3A_86 : i32
          scf.if %cond3A_87 {
            %dma_wait3A_95 = arith.constant 0 : i32
            %dma_wait3A_96 = tpu.memref_slice %arg5[%dma_wait3A_95] : memref<16896xf32, #tpu.memory_space<vmem>> -> memref<8448xf32, #tpu.memory_space<vmem>>
            %dma_wait3A_97 = arith.constant 0 : i32
            %dma_wait3A_98 = tpu.memref_slice %arg2[%add3A_18, %dma_wait3A_97] : memref<96x130305xf32, #tpu.memory_space<hbm>> -> memref<1x8448xf32, #tpu.memory_space<hbm>>
            %dma_wait3A_99 = tpu.memref_squeeze %dma_wait3A_98 : memref<1x8448xf32, #tpu.memory_space<hbm>> -> memref<8448xf32, #tpu.memory_space<hbm>>
            %dma_wait3A_100 = arith.constant 0 : i32
            %dma_wait3A_101 = tpu.memref_slice %arg5[%dma_wait3A_100] : memref<16896xf32, #tpu.memory_space<vmem>> -> memref<8448xf32, #tpu.memory_space<vmem>>
            %dma_wait3A_102 = arith.constant 0 : i32
            %dma_wait3A_103 = tpu.memref_slice %arg2[%add3A_18, %dma_wait3A_102] : memref<96x130305xf32, #tpu.memory_space<hbm>> -> memref<1x8448xf32, #tpu.memory_space<hbm>>
            %dma_wait3A_104 = tpu.memref_squeeze %dma_wait3A_103 : memref<1x8448xf32, #tpu.memory_space<hbm>> -> memref<8448xf32, #tpu.memory_space<hbm>>
            tpu.wait_dma2 semaphore(%arg6 : memref<!tpu.dma_semaphore, #tpu.memory_space<semaphore_mem>>) src(%dma_wait3A_104 : memref<8448xf32, #tpu.memory_space<hbm>>) dst(%dma_wait3A_101 : memref<8448xf32, #tpu.memory_space<vmem>>)
          } else {
          }
          %and3A_88 = arith.constant 1 : i32
          %and3A_89 = arith.andi %add3A_72, %and3A_88 : i32
          %eq3A_90 = arith.constant 1 : i32
          %eq3A_91 = arith.cmpi eq, %and3A_89, %eq3A_90 : i32
          %convert_element_type3A_92 = arith.extui %eq3A_91 : i1 to i32
          %cond3A_93 = arith.constant 0 : i32
          %cond3A_94 = arith.cmpi ne, %convert_element_type3A_92, %cond3A_93 : i32
          scf.if %cond3A_94 {
            %dma_wait3A_95 = arith.constant 8448 : i32
            %dma_wait3A_96 = tpu.memref_slice %arg5[%dma_wait3A_95] : memref<16896xf32, #tpu.memory_space<vmem>> -> memref<8448xf32, #tpu.memory_space<vmem>>
            %dma_wait3A_97 = arith.constant 0 : i32
            %dma_wait3A_98 = tpu.memref_slice %arg2[%add3A_18, %dma_wait3A_97] : memref<96x130305xf32, #tpu.memory_space<hbm>> -> memref<1x8448xf32, #tpu.memory_space<hbm>>
            %dma_wait3A_99 = tpu.memref_squeeze %dma_wait3A_98 : memref<1x8448xf32, #tpu.memory_space<hbm>> -> memref<8448xf32, #tpu.memory_space<hbm>>
            %dma_wait3A_100 = arith.constant 8448 : i32
            %dma_wait3A_101 = tpu.memref_slice %arg5[%dma_wait3A_100] : memref<16896xf32, #tpu.memory_space<vmem>> -> memref<8448xf32, #tpu.memory_space<vmem>>
            %dma_wait3A_102 = arith.constant 0 : i32
            %dma_wait3A_103 = tpu.memref_slice %arg2[%add3A_18, %dma_wait3A_102] : memref<96x130305xf32, #tpu.memory_space<hbm>> -> memref<1x8448xf32, #tpu.memory_space<hbm>>
            %dma_wait3A_104 = tpu.memref_squeeze %dma_wait3A_103 : memref<1x8448xf32, #tpu.memory_space<hbm>> -> memref<8448xf32, #tpu.memory_space<hbm>>
            tpu.wait_dma2 semaphore(%arg7 : memref<!tpu.dma_semaphore, #tpu.memory_space<semaphore_mem>>) src(%dma_wait3A_104 : memref<8448xf32, #tpu.memory_space<hbm>>) dst(%dma_wait3A_101 : memref<8448xf32, #tpu.memory_space<vmem>>)
          } else {
          }
        } else {
        }
        %eq3A = arith.constant 15 : i32
        %eq3A_77 = arith.cmpi eq, %add3A_72, %eq3A : i32
        %convert_element_type3A_78 = arith.extui %eq3A_77 : i1 to i32
        %cond3A_79 = arith.constant 0 : i32
        %cond3A_80 = arith.cmpi ne, %convert_element_type3A_78, %cond3A_79 : i32
        scf.if %cond3A_80 {
          %and3A_81 = arith.constant 1 : i32
          %and3A_82 = arith.andi %add3A_72, %and3A_81 : i32
          %eq3A_83 = arith.constant 0 : i32
          %eq3A_84 = arith.cmpi eq, %and3A_82, %eq3A_83 : i32
          %convert_element_type3A_85 = arith.extui %eq3A_84 : i1 to i32
          %cond3A_86 = arith.constant 0 : i32
          %cond3A_87 = arith.cmpi ne, %convert_element_type3A_85, %cond3A_86 : i32
          scf.if %cond3A_87 {
            %dma_wait3A_95 = arith.constant 0 : i32
            %dma_wait3A_96 = tpu.memref_slice %arg5[%dma_wait3A_95] : memref<16896xf32, #tpu.memory_space<vmem>> -> memref<7552xf32, #tpu.memory_space<vmem>>
            %dma_wait3A_97 = arith.constant 0 : i32
            %dma_wait3A_98 = tpu.memref_slice %arg2[%add3A_18, %dma_wait3A_97] : memref<96x130305xf32, #tpu.memory_space<hbm>> -> memref<1x7552xf32, #tpu.memory_space<hbm>>
            %dma_wait3A_99 = tpu.memref_squeeze %dma_wait3A_98 : memref<1x7552xf32, #tpu.memory_space<hbm>> -> memref<7552xf32, #tpu.memory_space<hbm>>
            %dma_wait3A_100 = arith.constant 0 : i32
            %dma_wait3A_101 = tpu.memref_slice %arg5[%dma_wait3A_100] : memref<16896xf32, #tpu.memory_space<vmem>> -> memref<7552xf32, #tpu.memory_space<vmem>>
            %dma_wait3A_102 = arith.constant 0 : i32
            %dma_wait3A_103 = tpu.memref_slice %arg2[%add3A_18, %dma_wait3A_102] : memref<96x130305xf32, #tpu.memory_space<hbm>> -> memref<1x7552xf32, #tpu.memory_space<hbm>>
            %dma_wait3A_104 = tpu.memref_squeeze %dma_wait3A_103 : memref<1x7552xf32, #tpu.memory_space<hbm>> -> memref<7552xf32, #tpu.memory_space<hbm>>
            tpu.wait_dma2 semaphore(%arg6 : memref<!tpu.dma_semaphore, #tpu.memory_space<semaphore_mem>>) src(%dma_wait3A_104 : memref<7552xf32, #tpu.memory_space<hbm>>) dst(%dma_wait3A_101 : memref<7552xf32, #tpu.memory_space<vmem>>)
          } else {
          }
          %and3A_88 = arith.constant 1 : i32
          %and3A_89 = arith.andi %add3A_72, %and3A_88 : i32
          %eq3A_90 = arith.constant 1 : i32
          %eq3A_91 = arith.cmpi eq, %and3A_89, %eq3A_90 : i32
          %convert_element_type3A_92 = arith.extui %eq3A_91 : i1 to i32
          %cond3A_93 = arith.constant 0 : i32
          %cond3A_94 = arith.cmpi ne, %convert_element_type3A_92, %cond3A_93 : i32
          scf.if %cond3A_94 {
            %dma_wait3A_95 = arith.constant 8448 : i32
            %dma_wait3A_96 = tpu.memref_slice %arg5[%dma_wait3A_95] : memref<16896xf32, #tpu.memory_space<vmem>> -> memref<7552xf32, #tpu.memory_space<vmem>>
            %dma_wait3A_97 = arith.constant 0 : i32
            %dma_wait3A_98 = tpu.memref_slice %arg2[%add3A_18, %dma_wait3A_97] : memref<96x130305xf32, #tpu.memory_space<hbm>> -> memref<1x7552xf32, #tpu.memory_space<hbm>>
            %dma_wait3A_99 = tpu.memref_squeeze %dma_wait3A_98 : memref<1x7552xf32, #tpu.memory_space<hbm>> -> memref<7552xf32, #tpu.memory_space<hbm>>
            %dma_wait3A_100 = arith.constant 8448 : i32
            %dma_wait3A_101 = tpu.memref_slice %arg5[%dma_wait3A_100] : memref<16896xf32, #tpu.memory_space<vmem>> -> memref<7552xf32, #tpu.memory_space<vmem>>
            %dma_wait3A_102 = arith.constant 0 : i32
            %dma_wait3A_103 = tpu.memref_slice %arg2[%add3A_18, %dma_wait3A_102] : memref<96x130305xf32, #tpu.memory_space<hbm>> -> memref<1x7552xf32, #tpu.memory_space<hbm>>
            %dma_wait3A_104 = tpu.memref_squeeze %dma_wait3A_103 : memref<1x7552xf32, #tpu.memory_space<hbm>> -> memref<7552xf32, #tpu.memory_space<hbm>>
            tpu.wait_dma2 semaphore(%arg7 : memref<!tpu.dma_semaphore, #tpu.memory_space<semaphore_mem>>) src(%dma_wait3A_104 : memref<7552xf32, #tpu.memory_space<hbm>>) dst(%dma_wait3A_101 : memref<7552xf32, #tpu.memory_space<vmem>>)
          } else {
          }
        } else {
        }
      } else {
      }
      %dma_start3A_66 = tpu.memref_slice %arg3[%add3A_18, %mul3A_21] : memref<96x130305xf32, #tpu.memory_space<hbm>> -> memref<1x65152xf32, #tpu.memory_space<hbm>>
      %dma_start3A_67 = tpu.memref_squeeze %dma_start3A_66 : memref<1x65152xf32, #tpu.memory_space<hbm>> -> memref<65152xf32, #tpu.memory_space<hbm>>
      %dma_start3A_68 = tpu.memref_slice %arg3[%add3A_18, %mul3A_21] : memref<96x130305xf32, #tpu.memory_space<hbm>> -> memref<1x65152xf32, #tpu.memory_space<hbm>>
      %dma_start3A_69 = tpu.memref_squeeze %dma_start3A_68 : memref<1x65152xf32, #tpu.memory_space<hbm>> -> memref<65152xf32, #tpu.memory_space<hbm>>
      tpu.enqueue_dma source(%arg4 : memref<65152xf32, #tpu.memory_space<vmem>>) target(%dma_start3A_69 : memref<65152xf32, #tpu.memory_space<hbm>>) target_semaphore(%arg8 : memref<!tpu.dma_semaphore, #tpu.memory_space<semaphore_mem>>)
      %scan3A_70 = arith.constant 0 : i32
      scf.yield %scan3A_70 : i32
    }
    %scan3A_6 = arith.constant 6 : i32
    %dma_wait3A = arith.constant 0 : i32
    %dma_wait3A_7 = arith.constant 0 : i32
    %dma_wait3A_8 = tpu.memref_slice %arg3[%dma_wait3A, %dma_wait3A_7] : memref<96x130305xf32, #tpu.memory_space<hbm>> -> memref<1x65152xf32, #tpu.memory_space<hbm>>
    %dma_wait3A_9 = tpu.memref_squeeze %dma_wait3A_8 : memref<1x65152xf32, #tpu.memory_space<hbm>> -> memref<65152xf32, #tpu.memory_space<hbm>>
    %dma_wait3A_10 = arith.constant 0 : i32
    %dma_wait3A_11 = tpu.memref_slice %arg3[%dma_wait3A, %dma_wait3A_10] : memref<96x130305xf32, #tpu.memory_space<hbm>> -> memref<1x65152xf32, #tpu.memory_space<hbm>>
    %dma_wait3A_12 = tpu.memref_squeeze %dma_wait3A_11 : memref<1x65152xf32, #tpu.memory_space<hbm>> -> memref<65152xf32, #tpu.memory_space<hbm>>
    tpu.wait_dma2 semaphore(%arg8 : memref<!tpu.dma_semaphore, #tpu.memory_space<semaphore_mem>>) src(%arg4 : memref<65152xf32, #tpu.memory_space<vmem>>) dst(%dma_wait3A_12 : memref<65152xf32, #tpu.memory_space<hbm>>)
    return
  }
}

</mosaic_0001>

<sc_bundles>
// kernel: branch_1_fun.3.cloned.1.call-start
scs
__scs_entry_jumppad:
0x0: {  	(pc) =	sbr.rel $0x88, $3  }
0x1: {  	(tag) =	ssettag $0x0;
	lr =	simm.s32 $0x1  }
0x2: {  	[smem:$0x3F9F] =	sst lr;
	_ =	strace $0xD0000000  }
0x3: {  	_ = 	snop  }
0x4: {  	_ = 	snop  }
0x5: {  	_ = 	snop  }
0x6: {  	_ = 	snop  }
0x7: {  	_ = 	snop  }
__scs_overlays_trampoline_lowered:
0x8: {  	[smem:$0x3FAE] =	sst s0  }
0x9: {  	[smem:$0x3FAF] =	sst s1  }
0xa: {  	[smem:$0x3FB0] =	sst s2  }
0xb: {  	[smem:$0x3FB1] =	sst s3  }
0xc: {  	[smem:$0x3FB2] =	sst s4  }
0xd: {  	[smem:$0x3FB3] =	sst s5  }
0xe: {  	[smem:$0x3FB4] =	sst s6  }
0xf: {  	[smem:$0x3FB5] =	sst s7  }
0x10: {  	[smem:$0x3FB6] =	sst s8  }
0x11: {  	[smem:$0x3FB7] =	sst s9;
	s0 =	simm.s32 @!p0 $0x0  }
0x12: {  	s1 =	sld [smem:$0x3F9D];
	s0 =	simm.s32 @p0 $0x1  }
0x13: {  	[smem:$0x3FB8] =	sst s0;
	s0 =	simm.s32 @!p1 $0x0  }
0x14: {  	s2 =	sld [smem:$0x3F9C];
	s0 =	simm.s32 @p1 $0x1  }
0x15: {  	[smem:$0x3FB9] =	sst s0;
	s0 =	simm.s32 @!p2 $0x0  }
0x16: {  	s3 =	sld [smem:$0x3FDB];
	s0 =	simm.s32 @p2 $0x1  }
0x17: {  	s4 =	simm.s32 $0x1BF5;
	[smem:$0x3FBB] =	sst s0  }
0x18: {  	s0 =	sld [smem:$0x3F9E];
	_ =	swait.ge [sflag:s4], $0x0  }
0x19: {  	s7 =	sld [smem:$0x3F9F]  }
0x1a: {  	s8 =	sadd.s32 $0xFFFFE003, lr  }
0x1b: {  	s9 =	sadd.s32 $0xFFFFFEF7, lr;
	s5 =	simm.s32 $0xFFFFFFFF;
	p2 =	slt.u32 s8, $0xFFFFF086  }
0x1c: {  	p1 =	slt.u32 s9, $0xF7A;
	s5 =	simm.s32 @!p2 $0x0  }
0x1d: {  	s5 =	simm.s32 @p1 $0x1;
	p0 =	seq.s32 s7, s2  }
0x1e: {  	s7 =	smul.u32 @!p0 $0xF7A, s2;
	p2 =	seq.s32 @!p0 s5, $0x0  }
0x1f: {  	s9 =	smul.u32 $0xF7A, s1;
	s8 =	simm.s32 @!p0 $0x1BF5;
	p2 =	por !p2, p0  }
0x20: {  	[sflag:s8] =	ssyncset.s32 @!p0 $0xFFFFF086;
	s6 =	sadd.s32 @!p0 s3, s7;
	s7 =	simm.s32 @!p0 $0x108  }
0x21: {  	s3 =	sadd.s32 s3, s9;
	s6 =	sadd.s32 @!p0 $0x88, s6;
	s7 =	simm.s32 @p2 $0x1082  }
0x22: {  	[simem:s7], [sflag:s8] =	dma.local @!p0 [hbm:s6], $0xF7A  }
0x23: {  	s9 =	sor.u32 $0xD0000000, s2;
	s6 =	simm.s32 $0x108;
	_ =	swait.ge @!p0 [sflag:s8], $0x0  }
0x24: {  	s3 =	sadd.s32 $0x88, s3;
	s6 =	simm.s32 @!p1 $0x1082;
	[sflag:s4] =	ssyncset.s32 $0xFFFFF086  }
0x25: {  	[simem:s6], [sflag:s4] =	dma.local [hbm:s3], $0xF7A  }
0x26: {  	[smem:$0x3F9F] =	sst s1;
	(tag) =	ssettag s2;
	_ =	strace s9  }
0x27: {  	s1 =	sld [smem:$0x3FAF]  }
0x28: {  	s2 =	sld [smem:$0x3FB0]  }
0x29: {  	s4 =	sld [smem:$0x3FB2]  }
0x2a: {  	p0 =	seq.s32 s5, $0x0;
	s5 =	sld [smem:$0x3FB3]  }
0x2b: {  	s6 =	sld [smem:$0x3FB4]  }
0x2c: {  	s7 =	sld [smem:$0x3FB5]  }
0x2d: {  	s3 =	simm.s32 $0x108;
	s8 =	sld [smem:$0x3FB6]  }
0x2e: {  	s3 =	simm.s32 @!p0 $0x1082;
	s9 =	sld [smem:$0x3FB7]  }
0x2f: {  	lr =	sadd.s32 s0, s3;
	s0 =	sld [smem:$0x3FAE]  }
0x30: {  	s3 =	sld [smem:$0x3FB1]  }
0x31: {  	[smem:$0x3FBA] =	sst s10  }
0x32: {  	s10 =	sld [smem:$0x3FB8];
	_ =	sdelay $0x3  }
0x33: {  	p0 =	seq.s32 s10, $0x1;
	s10 =	sld [smem:$0x3FBA];
	_ =	sdelay $0x3  }
0x34: {  	[smem:$0x3FBA] =	sst s10  }
0x35: {  	s10 =	sld [smem:$0x3FB9];
	_ =	sdelay $0x3  }
0x36: {  	p1 =	seq.s32 s10, $0x1;
	s10 =	sld [smem:$0x3FBA];
	_ =	sdelay $0x3  }
0x37: {  	[smem:$0x3FBA] =	sst s10  }
0x38: {  	s10 =	sld [smem:$0x3FBB]  }
0x39: {  	_ = 	snop;
	(pc) =	sbr.ind lr, $3  }
0x3a: {  	_ = 	snop  }
0x3b: {  	_ = 	snop  }
0x3c: {  	p2 =	seq.s32 s10, $0x1;
	s10 =	sld [smem:$0x3FBA]  }
0x3d: {  	_ =	shalt  }
0x3e: {  	_ =	shalt  }
0x3f: {  	_ =	shalt  }
0x40: {  	_ =	shalt  }
0x41: {  	_ =	shalt  }
0x42: {  	_ =	shalt  }
0x43: {  	_ =	shalt  }
0x44: {  	_ =	shalt  }
0x45: {  	_ =	shalt  }
0x46: {  	_ =	shalt  }
0x47: {  	_ =	shalt  }
0x48: {  	_ =	shalt  }
0x49: {  	_ =	shalt  }
0x4a: {  	_ =	shalt  }
0x4b: {  	_ =	shalt  }
0x4c: {  	_ =	shalt  }
0x4d: {  	_ =	shalt  }
0x4e: {  	_ =	shalt  }
0x4f: {  	_ =	shalt  }
0x50: {  	_ =	shalt  }
0x51: {  	_ =	shalt  }
0x52: {  	_ =	shalt  }
0x53: {  	_ =	shalt  }
0x54: {  	_ =	shalt  }
0x55: {  	_ =	shalt  }
0x56: {  	_ =	shalt  }
0x57: {  	_ =	shalt  }
0x58: {  	_ =	shalt  }
0x59: {  	_ =	shalt  }
0x5a: {  	_ =	shalt  }
0x5b: {  	_ =	shalt  }
0x5c: {  	_ =	shalt  }
0x5d: {  	_ =	shalt  }
0x5e: {  	_ =	shalt  }
0x5f: {  	_ =	shalt  }
0x60: {  	_ =	shalt  }
0x61: {  	_ =	shalt  }
0x62: {  	_ =	shalt  }
0x63: {  	_ =	shalt  }
0x64: {  	_ =	shalt  }
0x65: {  	_ =	shalt  }
0x66: {  	_ =	shalt  }
0x67: {  	_ =	shalt  }
0x68: {  	_ =	shalt  }
0x69: {  	_ =	shalt  }
0x6a: {  	_ =	shalt  }
0x6b: {  	_ =	shalt  }
0x6c: {  	_ =	shalt  }
0x6d: {  	_ =	shalt  }
0x6e: {  	_ =	shalt  }
0x6f: {  	_ =	shalt  }
0x70: {  	_ =	shalt  }
0x71: {  	_ =	shalt  }
0x72: {  	_ =	shalt  }
0x73: {  	_ =	shalt  }
0x74: {  	_ =	shalt  }
0x75: {  	_ =	shalt  }
0x76: {  	_ =	shalt  }
0x77: {  	_ =	shalt  }
0x78: {  	_ =	shalt  }
0x79: {  	_ =	shalt  }
0x7a: {  	_ =	shalt  }
0x7b: {  	_ =	shalt  }
0x7c: {  	_ =	shalt  }
0x7d: {  	_ =	shalt  }
0x7e: {  	_ =	shalt  }
0x7f: {  	_ =	shalt  }
0x80: {  	_ =	shalt  }
0x81: {  	_ =	shalt  }
0x82: {  	_ =	shalt  }
0x83: {  	_ =	shalt  }
0x84: {  	_ =	shalt  }
0x85: {  	_ =	shalt  }
0x86: {  	_ =	shalt  }
0x87: {  	_ =	shalt  }
.Lfunc_end0:
.L_simem_size_0:
called_computation_lowered:
.L_overlay_start_0:
0x88: {  	s2 =	sld [smem:$0x3FD9]  }
0x89: {  	s3 =	sld [smem:$0x3FFE];
	_ =	sdelay $0x1  }
0x8a: {  	s1 =	srdreg.scid  }
0x8b: {  	s0 =	sand.u32 $0x1, s1  }
0x8c: {  	s17 =	sshll.u32 s0, $0xA;
	s2 =	sadd.s32 s3, s2  }
0x8d: {  	s2 =	sadd.s32 s2, s17  }
0x8e: {  	[smem:$0x3FC6] =	sst s2  }
0x8f: {  	_ = 	snop  }
0x90: {  	s2 =	sld [smem:$0x3FD0];
	(tm) =	ssettm $0x1  }
0x91: {  	s18 =	sld [smem:$0x3FFB];
	_ =	sdelay $0x3  }
0x92: {  	_ =	strace s18  }
0x93: {  	s3 =	sld [smem:$0x3FFC];
	_ =	sdelay $0x3  }
0x94: {  	_ =	strace s3  }
0x95: {  	s3 =	sld [smem:$0x3FFD];
	_ =	sdelay $0x3  }
0x96: {  	_ =	strace s3  }
0x97: {  	_ =	strace $0x8FFFFFFF  }
0x98: {  	s19 =	sld [smem:$0x3FDB];
	_ =	sdelay $0x1  }
0x99: {  	s4 =	simm.s32 $_scs_section_size  }
0x9a: {  	s5 =	simm.s32 $_size__tile_overlayer_lowered;
	s6 =	simm.s32 $_tile_overlayer_lowered  }
0x9b: {  	s22 =	simm.s32 $0x1BFF;
	s21 =	sshll.u32 s6, $0x1;
	s3 =	sadd.s32 s4, s19  }
0x9c: {  	s7 =	simm.s32 $0x0;
	s20 =	sshll.u32 s5, $0x1;
	s5 =	sadd.s32 s21, s3  }
0x9d: {  	[timem:s7], [sflag:s22] =	dma.local [hbm:s5], s20  }
0x9e: {  	_ =	swait.ge [sflag:s22], s20  }
0x9f: {  	s4 =	ssub.s32 $0x0, s20;
	[sflag:s22] =	ssyncset.done $0x0  }
0xa0: {  	[sflag:s22] =	ssyncadd.s32 s4;
	_ =	sdelay $0x1  }
0xa1: {  	s23 =	simm.s32 $0x1B8B  }
0xa2: {  	_ =	swait.ge [sflag:s23], $0x1  }
0xa3: {  	[sflag:s23] =	ssyncset.done $0x0  }
0xa4: {  	s25 =	simm.s32 $0x1B8E;
	s24 =	sld [smem:$0x3FFE];
	[sflag:s23] =	ssyncadd.s32 $0xFFFFFFFF  }
0xa5: {  	s26 =	simm.s32 $execute0_lowered;
	[smem:$0x3FD2] =	sst s25  }
0xa6: {  	s5 =	sshll.u32 s26, $0x1;
	_ =	strace $0x80000046;
	[dreg:$0x1] =	wrdreg $0xFFFFFFFF  }
0xa7: {  	s28 =	simm.s32 $_size_execute0_lowered;
	s3 =	sadd.s32 s3, s5;
	[dreg:$0x0] =	wrdreg $0x0  }
0xa8: {  	s5 =	sshll.u32 s28, $0x1;
	[dreg:$0x2] =	wrdreg s3  }
0xa9: {  	[dreg:$0x3] =	wrdreg s5  }
0xaa: {  	[dreg:$0x4] =	wrdreg $0xC0  }
0xab: {  	_ =	task [dreg:s7], $0x5FFFF  }
0xac: {  	[dreg:$0x1] =	wrdreg $0xFFFFFFFF  }
0xad: {  	[dreg:$0x0] =	wrdreg $0x60  }
0xae: {  	[dreg:$0x2] =	wrdreg s2  }
0xaf: {  	[dreg:$0x3] =	wrdreg s24  }
0xb0: {  	[dreg:$0x4] =	wrdreg $0x9  }
0xb1: {  	_ =	task.clear_ibuf [dreg:s7], $0x5FFFF;
	_ =	strace $0x90000046  }
0xb2: {  	s29 =	simm.s32 $0x9;
	_ =	strace $0x80000048  }
0xb3: {  	_ =	swait.ge [sflag:s29], $0x1  }
0xb4: {  	[sflag:s29] =	ssyncadd.s32 $0xFFFFFFFF  }
0xb5: {  	_ =	strace $0x90000048  }
0xb6: {  	_ =	sfence  }
0xb7: {  	s30 =	sld [smem:$0x0];
	_ =	sdelay $0x2  }
0xb8: {  	s31 =	sshll.u32 s1, $0xD;
	s1 =	sshrl.u32 s1, $0x2  }
0xb9: {  	s3 =	sand.u32 $0x4000, s31;
	s1 =	sadd.s32 s1, s30  }
0xba: {  	s0 =	sor.u32 s3, s0;
	s1 =	sshll.u32 s1, $0x11  }
0xbb: {  	s0 =	sor.u32 s1, s0  }
0xbc: {  	s0 =	sadd.s32 $0x8F2B, s0  }
0xbd: {  	[sflag:s0] =	ssyncadd.remote.s32 $0x1  }
0xbe: {  	_ =	sfence.sel $0xFFFF  }
0xbf: {  	[dreg:$0x0] =	wrdreg $0xFFFFFFFF;
	(pc) =	sbr.abs _section_cstart, $3  }
0xc0: {  	[dreg:$0x1] =	wrdreg $0xFFFFFFFF  }
0xc1: {  	_ =	task.clear_ibuf [dreg:s7], $0x2FFFF;
	_ =	strace $0x9FFFFFFF  }
0xc2: {  	(tm) =	ssettm $0x7FFFFFFF  }
0xc3: {  	_ =	shalt  }
tec
execute0_lowered:
.L_overlay_start_1:
0x0: {  	(tag) =	ssettag $0x1  }
0x1: {  	s1 =	rddreg [dreg:$0x0]  }
0x2: {  	s4 =	rddreg [dreg:$0x1];
	s2 =	srdreg.scid  }
0x3: {  	s3 =	simm.s32 $0x0;
	s0 =	stileid.u32;
	s9 =	simm.s32 $0xFE80  }
0x4: {  	s10 =	simm.s32 $0x11F80;
	s11 =	simm.s32 $0x1;
	s12 =	simm.s32 $0x3  }
.Ltmp0:
0x5: {  	s13 =	simm.s32 $0x0;
	s5 =	sand.u32 $0x1, s2;
	(pc) =	sbr.rel .LBB2_1-.Ltmp0, $4  }
0x6: {  	v0 =	vlaneseq.u32;
	[smem:$0x7FF] =	sst s3;
	s8 =	sshll.u32 s0, $0x1;
	s6 =	ssub.s32 $0x2, s5  }
0x7: {  	s4 =	sadd.s32 $0x400, s4;
	v1 =	vmul.u32 $0xFFFFFFFF, v0;
	_ =	strace $0x80000047;
	s7 =	sshrl.u32 s6, $0x1  }
0x8: {  	v2 =	vadd.s32 $0x1FE, v0;
	s5 =	sor.u32 s5, s8;
	s8 =	simm.s32 $0x400;
	s6 =	ssub.s32 s6, s7  }
0x9: {  	v3 =	vadd.s32 $0xFFFFFFFE, v0;
	v4 =	vadd.s32 $0x1, v0;
	s5 =	smul.u32 $0x3, s5;
	v1 =	vadd.s32 $0x1FF, v1;
	s7 =	simm.s32 $0x80;
	s6 =	smax.u32 s6, $0x1  }
.LBB2_28:
0xa: {  	s13 =	sadd.s32 $0x1, s13  }
0xb: {  	p0 =	sne.s32 s13, s6  }
.Ltmp1:
0xc: {  	_ = 	snop;
	(pc) =	sbr.rel @!p0 .LBB2_29-.Ltmp1, $4  }
0xd: {  	_ = 	snop  }
0xe: {  	_ =	swait.ge [sflag:s12], $0xFE80  }
0xf: {  	[sflag:s12] =	ssyncset.done $0x0  }
0x10: {  	[sflag:s12] =	ssyncadd.s32 $0xFFFF0180  }
.LBB2_1:
.Ltmp2:
0x11: {  	(pc) =	sbr.rel .LBB2_2-.Ltmp2, $2  }
0x12: {  	_ =	sdelay $0x2  }
0x13: {  	s14 =	simm.s32 $0x0  }
.LBB2_27:
0x14: {  	p0 =	sgt.s32 s21, $0xE  }
0x15: {  	p2 =	seq.s32 @!p0 s21, $0xE  }
0x16: {  	p3 =	por !p2, p0  }
0x17: {  	s0 =	simm.s32 @!p3 $0x2  }
0x18: {  	p4 =	por @!p0 p1, p2;
	_ =	swait.ge @!p3 [sflag:s0], $0x1D80  }
0x19: {  	p4 =	por p4, p0;
	[sflag:s0] =	ssyncset.done @!p3 $0x0  }
0x1a: {  	[sflag:s0] =	ssyncadd.s32 @!p3 $0xFFFFE280;
	s0 =	simm.s32 @!p4 $0x2  }
0x1b: {  	p1 =	por @!p0 !p1, p2;
	_ =	swait.ge @!p4 [sflag:s0], $0x2100  }
0x1c: {  	p0 =	por p1, p0;
	[sflag:s0] =	ssyncset.done @!p4 $0x0  }
0x1d: {  	[sflag:s0] =	ssyncadd.s32 @!p4 $0xFFFFDF00;
	s0 =	simm.s32 @!p0 $0x1  }
0x1e: {  	_ =	swait.ge @!p0 [sflag:s0], $0x2100  }
0x1f: {  	s2 =	smul.u32 $0x7F400, s18;
	s14 =	sadd.s32 $0x1, s14;
	[sflag:s0] =	ssyncset.done @!p0 $0x0  }
0x20: {  	[sflag:s0] =	ssyncadd.s32 @!p0 $0xFFFFDF00;
	p0 =	sne.s32 s14, $0x6  }
.Ltmp3:
0x21: {  	s2 =	sadd.s32 s2, s15;
	(pc) =	sbr.rel @!p0 .LBB2_28-.Ltmp3, $4  }
0x22: {  	s2 =	sor.u32 s16, s2  }
0x23: {  	s2 =	sshrl.u32 s2, $0x3  }
0x24: {  	s31 =	sadd.s32 s4, s2  }
0x25: {  	[hbm4b:s31+s7] =	stream.strided.scatter [tilespmem:s3], [sflag:$0x3], $0xFE80, s8, s7, $0x38;
	[tilespmem:$0x14080] =	vst v63  }
.LBB2_2:
0x26: {  	s15 =	sshrl.u32 s14, $0x1  }
0x27: {  	s16 =	sadd.s32 s5, s15  }
0x28: {  	s15 =	sshrl.u32 s16, $0x3  }
0x29: {  	s16 =	sshll.u32 s16, $0x7;
	s15 =	smul.u32 $0xFEC00, s15  }
0x2a: {  	s16 =	sand.u32 $0x380, s16  }
0x2b: {  	s18 =	sor.u32 s16, s15  }
0x2c: {  	s17 =	sshrl.u32 s18, $0x3;
	s18 =	sadd.s32 $0xFC00, s18  }
0x2d: {  	s17 =	sadd.s32 s1, s17;
	s18 =	sshrl.u32 s18, $0x3  }
0x2e: {  	[tilespmem:s9], [sflag:$0x1] =	stream.strided.gather [hbm4b:s17+s7], $0x2100, s8, s7, $0x38;
	[tilespmem:$0x14080] =	vst v63  }
0x2f: {  	p0 =	seq.s32 s14, $0x0;
	s18 =	sadd.s32 s1, s18  }
0x30: {  	[tilespmem:s10], [sflag:$0x2] =	stream.strided.gather [hbm4b:s18+s7], $0x2100, s8, s7, $0x38;
	[tilespmem:$0x14080] =	vst v63  }
0x31: {  	s22 =	simm.s32 $0x16B;
	s18 =	simm.s32 @!p0 $0x3  }
0x32: {  	s23 =	simm.s32 $0x0;
	s28 =	simm.s32 $0x0;
	_ =	swait.ge @!p0 [sflag:s18], $0xFE80  }
.Ltmp4:
0x33: {  	s31 =	sadd.s32 s16, s15;
	[sflag:s18] =	ssyncset.done @!p0 $0x0;
	(pc) =	sbr.rel .LBB2_3-.Ltmp4, $4  }
0x34: {  	s21 =	simm.s32 $0x0;
	s19 =	sadd.s32 $0xEFC00, s31;
	[sflag:s18] =	ssyncadd.s32 @!p0 $0xFFFF0180  }
0x35: {  	s24 =	simm.s32 $0x0;
	s20 =	sshrl.u32 s19, $0x3;
	_ =	swait.ge [sflag:s11], $0x2100  }
0x36: {  	s20 =	sadd.s32 s1, s20;
	s18 =	sand.u32 $0x1, s14;
	[sflag:s11] =	ssyncset.done $0x0  }
0x37: {  	s19 =	smul.u32 $0xFFFF0180, s18;
	p0 =	seq.s32 s18, $0x0;
	[sflag:s11] =	ssyncadd.s32 $0xFFFFDF00  }
.LBB2_31:
0x38: {  	p1 =	sne.s32 s21, $0xF  }
0x39: {  	s0 =	simm.s32 @!p1 $0x2  }
0x3a: {  	_ =	swait.ge @!p1 [sflag:s0], $0x1D80  }
0x3b: {  	[sflag:s0] =	ssyncset.done @!p1 $0x0  }
0x3c: {  	[sflag:s0] =	ssyncadd.s32 @!p1 $0xFFFFE280  }
.LBB2_26:
0x3d: {  	s0 =	sshll.u32 s21, $0xD  }
0x3e: {  	p1 =	seq.s32 s21, $0x0;
	s0 =	sadd.s32 $0xFFFFFF80, s0  }
0x3f: {  	s0 =	simm.s32 @p1 $0x0  }
0x40: {  	s0 =	ssub.s32 s28, s0  }
0x41: {  	s2 =	sand.u32 $0x1, s21;
	p2 =	sgt.s32 s0, $0x0  }
0x42: {  	p1 =	seq.s32 s2, $0x1;
	s2 =	simm.s32 $0x2100;
	s0 =	simm.s32 @!p2 $0x0  }
0x43: {  	s26 =	sadd.s32 $0xFFFFFFF0, s26;
	s2 =	simm.s32 @!p1 $0x0;
	s0 =	smin.u32 s0, $0x20F0  }
0x44: {  	v6 =	vmov s26;
	s0 =	sadd.s32 s2, s0  }
0x45: {  	v7 =	vadd.s32 s26, v2;
	v6 =	vsub.s32 v1, v6;
	v8 =	vadd.s32 s0, v0  }
0x46: {  	v6 =	vmul.u32 v7, v6  }
0x47: {  	s30 =	ssub.s32 $0x10, s25  }
0x48: {  	v5 =	vadd.s32 s26, v5;
	v7 =	vmov s30;
	v6 =	vshra.s32 v6, $0x1  }
0x49: {  	s31 =	sadd.s32 $0x1, s23;
	vm0 =	vlt.s32 v7, v4;
	v5 =	vadd.s32 v6, v5  }
0x4a: {  	p2 =	sne.s32 s31, $0x1FE;
	v5 =	vadd.s32 v3, v5;
	v6 =	vld.idx.msk [tilespmem:v8+s9+$0x0], $0xffff  }
.Ltmp5:
0x4b: {  	_ = 	snop;
	(pc) =	sbr.rel @!p2 .LBB2_27-.Ltmp5, $2  }
0x4c: {  	_ =	sdelay $0x2  }
0x4d: {  	s24 =	sadd.s32 $0x1FE, s24;
	s28 =	sxor.u32 $0xFFFFFFFF, s23;
	s23 =	smov.u32 s31;
	[tilespmem:v5+s3+$0x0] =	vst.idx.msk vm0, v6  }
.LBB2_3:
0x4e: {  	s25 =	sadd.s32 $0xFE80, s23;
	s26 =	ssub.s32 $0x200, s22;
	s29 =	smov.u32 s22  }
.LBB2_4:
0x4f: {  	s22 =	smov.u32 s29;
	s29 =	sadd.s32 $0x1FD, s29  }
0x50: {  	s29 =	smul.u32 s29, s26;
	_ =	sdelay $0x1  }
0x51: {  	s29 =	sshra.s32 s29, $0x1  }
0x52: {  	s29 =	sadd.s32 s29, s22  }
0x53: {  	p1 =	slt.s32 s22, $0x3;
	s29 =	sadd.s32 $0xFFFFFFFD, s29  }
0x54: {  	p2 =	slt.s32 @!p1 s29, s25  }
0x55: {  	p1 =	por p1, !p2  }
.Ltmp6:
0x56: {  	_ = 	snop;
	(pc) =	sbr.rel @!p1 .LBB2_4-.Ltmp6, $2  }
0x57: {  	_ =	sdelay $0x2  }
0x58: {  	s26 =	sadd.s32 $0x1, s26;
	s29 =	sadd.s32 $0xFFFFFFFF, s22  }
0x59: {  	s25 =	smov.u32 s22  }
0x5a: {  	s30 =	sadd.s32 $0x2, s23;
	s25 =	simm.s32 @!p0 $0x3  }
0x5b: {  	s26 =	smov.u32 s22;
	p1 =	sgt.s32 s25, s30  }
0x5c: {  	s26 =	simm.s32 @p0 $0x200;
	s30 =	smov.u32 @p1 s25  }
0x5d: {  	s25 =	ssub.s32 s26, s30  }
0x5e: {  	s29 =	sadd.s32 $0xFFFFFFFF, s25  }
0x5f: {  	s24 =	sadd.s32 s24, s28;
	s28 =	sshra.s32 s29, $0x4  }
0x60: {  	p1 =	slt.s32 s28, $0x1  }
.Ltmp7:
0x61: {  	_ = 	snop;
	(pc) =	sbr.rel @p1 .LBB2_17-.Ltmp7, $3  }
0x62: {  	_ =	sdelay $0x1  }
0x63: {  	s31 =	ssub.s32 s19, s23;
	s29 =	sadd.s32 s30, s24  }
0x64: {  	v5 =	vmov s31;
	s29 =	sadd.s32 $0xFFFFFFFE, s29  }
0x65: {  	v6 =	vmov s30  }
0x66: {  	v7 =	vadd.s32 s30, v2;
	v6 =	vsub.s32 v1, v6  }
.Ltmp8:
0x67: {  	v6 =	vmul.u32 v7, v6;
	(pc) =	sbr.rel .LBB2_7-.Ltmp8, $4  }
0x68: {  	v7 =	vadd.s32 s30, v0  }
0x69: {  	v8 =	vadd.s32 v7, v5;
	v6 =	vshra.s32 v6, $0x1  }
0x6a: {  	v7 =	vshll.u32 v7, $0x4;
	v8 =	vadd.s32 v6, v8  }
0x6b: {  	s30 =	smov.u32 s29;
	v6 =	vsub.s32 $0xFFFFFF98, v7;
	v7 =	vadd.s32 $0xFFFFFFFE, v8  }
.LBB2_30:
0x6c: {  	p1 =	sne.s32 s21, $0xF  }
0x6d: {  	s0 =	simm.s32 @!p1 $0x2  }
0x6e: {  	_ =	swait.ge @!p1 [sflag:s0], $0x1D80  }
0x6f: {  	[sflag:s0] =	ssyncset.done @!p1 $0x0  }
0x70: {  	[sflag:s0] =	ssyncadd.s32 @!p1 $0xFFFFE280  }
.LBB2_16:
0x71: {  	p1 =	seq.s32 s21, $0x0;
	s0 =	sshll.u32 s21, $0xD;
	s2 =	sand.u32 $0x1, s21  }
0x72: {  	s0 =	ssub.s32 $0x80, s0;
	p2 =	seq.s32 s2, $0x1;
	s2 =	simm.s32 $0x2100  }
0x73: {  	s0 =	simm.s32 @p1 $0x0;
	s2 =	simm.s32 @!p2 $0x0  }
0x74: {  	s0 =	sadd.s32 s2, s0  }
0x75: {  	s0 =	sadd.s32 s0, s30  }
0x76: {  	v8 =	vadd.s32 s0, v0;
	_ =	sdelay $0x3  }
0x77: {  	s28 =	sadd.s32 $0xFFFFFFFF, s28  }
0x78: {  	p1 =	sne.s32 s28, $0x0;
	v8 =	vld.idx.msk [tilespmem:v8+s9+$0x0], $0xffff  }
.Ltmp9:
0x79: {  	_ = 	snop;
	(pc) =	sbr.rel @!p1 .LBB2_17-.Ltmp9, $2  }
0x7a: {  	_ =	sdelay $0x2  }
0x7b: {  	s30 =	sadd.s32 $0x10, s30;
	[tilespmem:v7+s3+$0x0] =	vst.idx.msk $0xffff, v8;
	v7 =	vadd.s32 v7, v6;
	v6 =	vadd.s32 $0xFFFFFF00, v6  }
.LBB2_7:
0x7c: {  	s31 =	sshll.u32 s21, $0xD  }
0x7d: {  	s31 =	sadd.s32 $0x2070, s31  }
0x7e: {  	p2 =	sle.s32 s30, s31  }
.Ltmp10:
0x7f: {  	_ = 	snop;
	(pc) =	sbr.rel @p2 .LBB2_16-.Ltmp10, $4  }
0x80: {  	_ = 	snop  }
0x81: {  	s0 =	simm.s32 $0x1;
	p1 =	sgt.s32 s30, s31  }
0x82: {  	s0 =	simm.s32 @!p1 $0x0  }
0x83: {  	s21 =	sadd.s32 s0, s21  }
0x84: {  	p1 =	sgt.s32 s21, $0xE  }
.Ltmp11:
0x85: {  	_ = 	snop;
	(pc) =	sbr.rel @p1 .LBB2_30-.Ltmp11, $1  }
0x86: {  	_ =	sdelay $0x3  }
0x87: {  	s31 =	sadd.s32 $0x1, s21  }
0x88: {  	s0 =	sand.u32 $0x1, s21;
	p2 =	seq.s32 s31, $0x0  }
.Ltmp12:
0x89: {  	p1 =	seq.s32 s0, $0x1;
	s0 =	simm.s32 $0x2;
	(pc) =	sbr.rel @!p2 .LBB2_11-.Ltmp12, $4  }
0x8a: {  	s0 =	simm.s32 @!p1 $0x1  }
0x8b: {  	_ =	swait.ge [sflag:s0], $0x2100  }
0x8c: {  	[sflag:s0] =	ssyncset.done $0x0  }
0x8d: {  	[sflag:s0] =	ssyncadd.s32 $0xFFFFDF00  }
.Ltmp13:
0x8e: {  	(pc) =	sbr.rel .LBB2_16-.Ltmp13, $2  }
0x8f: {  	_ =	sdelay $0x2  }
0x90: {  	[tilespmem:s9], [sflag:$0x1] =	stream.strided.gather [hbm4b:s17+s7], $0x2100, s8, s7, $0x38;
	[tilespmem:$0x14080] =	vst v63  }
.LBB2_11:
0x91: {  	p2 =	sgt.u32 s21, $0xD  }
.Ltmp14:
0x92: {  	_ = 	snop;
	(pc) =	sbr.rel @p2 .LBB2_15-.Ltmp14, $1  }
0x93: {  	_ =	sdelay $0x3  }
0x94: {  	s0 =	sshll.u32 s31, $0xD;
	s31 =	sand.u32 $0x1, s31  }
0x95: {  	p2 =	seq.s32 s31, $0x0  }
.Ltmp15:
0x96: {  	_ = 	snop;
	(pc) =	sbr.rel @!p2 .LBB2_14-.Ltmp15, $3  }
0x97: {  	_ =	sdelay $0x1  }
0x98: {  	s0 =	sadd.s32 $0xFFFFFF80, s0  }
0x99: {  	s31 =	sadd.s32 s17, s0  }
.Ltmp16:
0x9a: {  	(pc) =	sbr.rel @p1 .LBB2_16-.Ltmp16, $2  }
0x9b: {  	_ =	sdelay $0x2  }
0x9c: {  	[tilespmem:s9], [sflag:$0x1] =	stream.strided.gather [hbm4b:s31+s7], $0x2100, s8, s7, $0x38;
	[tilespmem:$0x14080] =	vst v63  }
.LBB2_14:
.Ltmp17:
0x9d: {  	(pc) =	sbr.rel .LBB2_16-.Ltmp17, $2  }
0x9e: {  	_ =	sdelay $0x2  }
0x9f: {  	[tilespmem:s10], [sflag:$0x2] =	stream.strided.gather [hbm4b:s31+s7], $0x2100, s8, s7, $0x38;
	[tilespmem:$0x14080] =	vst v63  }
.LBB2_15:
.Ltmp18:
0xa0: {  	(pc) =	sbr.rel .LBB2_16-.Ltmp18, $4  }
0xa1: {  	_ = 	snop  }
0xa2: {  	p1 =	sne.s32 s31, $0xF  }
0xa3: {  	s0 =	simm.s32 @!p1 $0x80;
	s31 =	simm.s32 @!p1 $0x400;
	s2 =	simm.s32 @!p1 $0x11F80  }
0xa4: {  	[tilespmem:s2], [sflag:$0x2] =	stream.strided.gather @!p1 [hbm4b:s20+s0], $0x1D80, s31, s0, $0x38;
	[tilespmem:$0x14080] =	vst v63  }
.LBB2_17:
0xa5: {  	s0 =	sadd.s32 s29, s25;
	s2 =	sshll.u32 s21, $0xD  }
0xa6: {  	s28 =	sadd.s32 $0xFFFFFFF0, s0;
	s31 =	sadd.s32 $0x2070, s2  }
0xa7: {  	p2 =	sle.s32 s28, s31  }
.Ltmp19:
0xa8: {  	_ = 	snop;
	(pc) =	sbr.rel @p2 .LBB2_26-.Ltmp19, $4  }
0xa9: {  	_ = 	snop  }
0xaa: {  	s2 =	simm.s32 $0x1;
	p1 =	sgt.s32 s28, s31  }
0xab: {  	s2 =	simm.s32 @!p1 $0x0  }
0xac: {  	s21 =	sadd.s32 s2, s21  }
0xad: {  	p1 =	sgt.s32 s21, $0xE  }
.Ltmp20:
0xae: {  	_ = 	snop;
	(pc) =	sbr.rel @p1 .LBB2_31-.Ltmp20, $1  }
0xaf: {  	_ =	sdelay $0x3  }
0xb0: {  	s29 =	sadd.s32 $0x1, s21  }
0xb1: {  	s0 =	sand.u32 $0x1, s21;
	p2 =	seq.s32 s29, $0x0  }
.Ltmp21:
0xb2: {  	p1 =	seq.s32 s0, $0x1;
	s0 =	simm.s32 $0x2;
	(pc) =	sbr.rel @!p2 .LBB2_21-.Ltmp21, $4  }
0xb3: {  	s0 =	simm.s32 @!p1 $0x1  }
0xb4: {  	_ =	swait.ge [sflag:s0], $0x2100  }
0xb5: {  	[sflag:s0] =	ssyncset.done $0x0  }
0xb6: {  	[sflag:s0] =	ssyncadd.s32 $0xFFFFDF00  }
.Ltmp22:
0xb7: {  	(pc) =	sbr.rel .LBB2_26-.Ltmp22, $2  }
0xb8: {  	_ =	sdelay $0x2  }
0xb9: {  	[tilespmem:s9], [sflag:$0x1] =	stream.strided.gather [hbm4b:s17+s7], $0x2100, s8, s7, $0x38;
	[tilespmem:$0x14080] =	vst v63  }
.LBB2_21:
0xba: {  	p2 =	sgt.u32 s21, $0xD  }
.Ltmp23:
0xbb: {  	_ = 	snop;
	(pc) =	sbr.rel @p2 .LBB2_25-.Ltmp23, $1  }
0xbc: {  	_ =	sdelay $0x3  }
0xbd: {  	s2 =	sand.u32 $0x1, s29  }
0xbe: {  	p2 =	seq.s32 s2, $0x0  }
.Ltmp24:
0xbf: {  	_ = 	snop;
	(pc) =	sbr.rel @!p2 .LBB2_24-.Ltmp24, $4  }
0xc0: {  	_ = 	snop  }
0xc1: {  	s0 =	sshll.u32 s29, $0xD  }
0xc2: {  	s0 =	sadd.s32 $0xFFFFFF80, s0  }
0xc3: {  	s29 =	sadd.s32 s17, s0  }
.Ltmp25:
0xc4: {  	(pc) =	sbr.rel @p1 .LBB2_26-.Ltmp25, $2  }
0xc5: {  	_ =	sdelay $0x2  }
0xc6: {  	[tilespmem:s9], [sflag:$0x1] =	stream.strided.gather [hbm4b:s29+s7], $0x2100, s8, s7, $0x38;
	[tilespmem:$0x14080] =	vst v63  }
.LBB2_24:
.Ltmp26:
0xc7: {  	(pc) =	sbr.rel .LBB2_26-.Ltmp26, $2  }
0xc8: {  	_ =	sdelay $0x2  }
0xc9: {  	[tilespmem:s10], [sflag:$0x2] =	stream.strided.gather [hbm4b:s29+s7], $0x2100, s8, s7, $0x38;
	[tilespmem:$0x14080] =	vst v63  }
.LBB2_25:
.Ltmp27:
0xca: {  	(pc) =	sbr.rel .LBB2_26-.Ltmp27, $4  }
0xcb: {  	_ = 	snop  }
0xcc: {  	p1 =	sne.s32 s29, $0xF  }
0xcd: {  	s0 =	simm.s32 @!p1 $0x80;
	s2 =	simm.s32 @!p1 $0x400;
	s29 =	simm.s32 @!p1 $0x11F80  }
0xce: {  	[tilespmem:s29], [sflag:$0x2] =	stream.strided.gather @!p1 [hbm4b:s20+s0], $0x1D80, s2, s0, $0x38;
	[tilespmem:$0x14080] =	vst v63  }
.LBB2_29:
0xcf: {  	_ =	sfence.sel $0x180000  }
0xd0: {  	[bflag:$0x0] =	sbarrier.arrive $0xFFFF  }
0xd1: {  	_ =	strace $0x90000047  }
0xd2: {  	s0 =	stileid.u32;
	[bflag:$0x2] =	sbarrier.arrive $0xFFFF  }
0xd3: {  	p0 =	sne.s32 s0, $0x0;
	s0 =	rddreg [dreg:$0x2]  }
0xd4: {  	s0 =	sadd.s32 @!p0 $0x100000, s0  }
0xd5: {  	[sflag:s0] =	ssyncadd.tile.s32 @!p0 $0x1;
	_ =	shalt  }
.Lfunc_end2:
_tile_overlayer_lowered:
.L_overlay_start_2:
0xd6: {  	(tag) =	ssettag $0x2  }
0xd7: {  	s0 =	rddreg [dreg:$0x0];
	s2 =	stileid.u32  }
0xd8: {  	s1 =	rddreg [dreg:$0x1];
	p0 =	sne.s32 s2, $0x0  }
0xd9: {  	s3 =	rddreg [dreg:$0x2];
	[bflag:$0x3] =	sbarrier.arrive $0xFFFF;
	s2 =	simm.s32 @!p0 $0x1C04  }
0xda: {  	[timem:s3], [sflag:s2] =	dma.local @!p0 [hbm:s0], s1  }
0xdb: {  	s0 =	simm.s32 @!p0 $0x4  }
0xdc: {  	_ =	swait.ge @!p0 [sflag:s0], s1  }
0xdd: {  	s1 =	ssub.s32 @!p0 $0x0, s1;
	[sflag:s0] =	ssyncset.done @!p0 $0x0  }
0xde: {  	[sflag:s0] =	ssyncadd.s32 @!p0 s1  }
0xdf: {  	[bflag:$0x3] =	sbarrier.arrive $0xFFFF  }
0xe0: {  	_ =	shalt  }

</sc_bundles>
